<compile_context>
chip_gen: v7x
topology: tpu7x:2x2x1
jax: 0.10.2.dev20260603
libtpu: 0.0.44.dev20260713+nightly
codegen_flags: <defaults>
</compile_context>

<pallas_src>
import jax
import jax.numpy as jnp
from jax.experimental import pallas as pl
from jax.experimental.pallas import tpu as pltpu

XR, YR, ZR = 128, 192, 128
VOX = 2.0 / 192.0
SIG = 2.0 / 192.0
INV2S2 = 1.0 / (2.0 * SIG * SIG)
NV = 6890
VPAD = 6912
XBLK = 8
NBLK = XR // XBLK
KBLK = 1024


def _axis_weights(vmask, coord_vec, idx, n):
    base = jnp.floor(coord_vec / VOX + (0.5 * n - 0.5))
    center = (idx + (0.5 - 0.5 * n)) * VOX
    d = center - coord_vec
    w = jnp.exp(-(d * d) * INV2S2)
    mask = (idx >= base - 3.0) & (idx <= base + 3.0) & vmask
    return w * mask.astype(jnp.float32)


def _tables_kernel(vx_ref, vy_ref, vz_ref, code_ref,
                   wxt_ref, wyt_ref, b_ref):
    vmask_l = jax.lax.broadcasted_iota(jnp.int32, (1, VPAD), 1) < NV
    xi = jax.lax.broadcasted_iota(jnp.int32, (XR, 1), 0).astype(jnp.float32)
    wxt_ref[...] = _axis_weights(vmask_l, vx_ref[...], xi, XR)
    yi = jax.lax.broadcasted_iota(jnp.int32, (YR, 1), 0).astype(jnp.float32)
    wyt_ref[...] = _axis_weights(vmask_l, vy_ref[...], yi, YR)

    vmask_s = jax.lax.broadcasted_iota(jnp.int32, (VPAD, 1), 0) < NV
    zi = jax.lax.broadcasted_iota(jnp.int32, (1, ZR), 1).astype(jnp.float32)
    wz = _axis_weights(vmask_s, vz_ref[...], zi, ZR)
    b_ref[:, 3 * ZR:] = wz.astype(jnp.bfloat16)

    erow = jax.lax.broadcasted_iota(jnp.int32, (ZR, 3 * ZR), 0)
    ecol = jax.lax.broadcasted_iota(jnp.int32, (ZR, 3 * ZR), 1)
    emat = (ecol // 3 == erow).astype(jnp.bfloat16)
    crow = jax.lax.broadcasted_iota(jnp.int32, (8, 3 * ZR), 0)
    ccol = jax.lax.broadcasted_iota(jnp.int32, (8, 3 * ZR), 1)
    cmat = (ccol % 3 == crow).astype(jnp.bfloat16)
    dims = (((1,), (0,)), ((), ()))
    wz3 = jax.lax.dot_general(
        wz.astype(jnp.bfloat16), emat, dims,
        preferred_element_type=jnp.float32)
    code8 = jnp.concatenate(
        [code_ref[...], jnp.zeros((VPAD, 5), jnp.float32)], axis=1)
    code3 = jax.lax.dot_general(
        code8.astype(jnp.bfloat16), cmat, dims,
        preferred_element_type=jnp.float32)
    b_ref[:, :3 * ZR] = (wz3 * code3).astype(jnp.bfloat16)


def _gate_store(acc, occ_row, emat, osem_ref, ow_ref, x):
    gate = (occ_row > 1e-3).astype(jnp.bfloat16)
    gate3 = jax.lax.dot_general(
        gate, emat, (((1,), (0,)), ((), ())),
        preferred_element_type=jnp.float32)
    osem_ref[x] = acc[:, :3 * ZR] * gate3
    ow_ref[x] = acc[:, 3 * ZR:] * gate.astype(jnp.float32) + 1e-3


def _accum_kernel(s_ref, full_ref, wxt_ref, wyt_ref, b_ref, occ_ref,
                  osem_ref, ow_ref):
    erow = jax.lax.broadcasted_iota(jnp.int32, (ZR, 3 * ZR), 0)
    ecol = jax.lax.broadcasted_iota(jnp.int32, (ZR, 3 * ZR), 1)
    emat = (ecol // 3 == erow).astype(jnp.bfloat16)
    i = pl.program_id(0)
    st = s_ref[i] * 8
    dims = (((1,), (0,)), ((), ()))

    def _windowed(_):
        sh = jnp.where(st == 0, 0, VPAD - st)
        wyt_w = pltpu.roll(wyt_ref[...], sh, axis=1)[:, :KBLK]
        wxt_w = pltpu.roll(wxt_ref[...], sh, axis=1)[:, :KBLK]
        b_w = b_ref[pl.ds(st, KBLK), :]
        for x in range(XBLK):
            mt = (wyt_w * wxt_w[x:x + 1, :]).astype(jnp.bfloat16)
            acc = jax.lax.dot_general(
                mt, b_w, dims, preferred_element_type=jnp.float32)
            _gate_store(acc, occ_ref[x], emat, osem_ref, ow_ref, x)
        return 0

    def _full(_):
        wyt = wyt_ref[...]
        bmat = b_ref[...]
        for x in range(XBLK):
            mt = (wyt * wxt_ref[x:x + 1, :]).astype(jnp.bfloat16)
            acc = jax.lax.dot_general(
                mt, bmat, dims, preferred_element_type=jnp.float32)
            _gate_store(acc, occ_ref[x], emat, osem_ref, ow_ref, x)
        return 0

    jax.lax.cond(full_ref[i] == 0, _windowed, _full, 0)


def kernel(smpl_vertices, occ_volume, smpl_vertex_code, smpl_face_indices):
    del smpl_face_indices

    base_x = jnp.floor(
        smpl_vertices[:, 0] / VOX + (0.5 * XR - 0.5)).astype(jnp.int32)
    order = jnp.argsort(base_x)
    verts = jnp.take(smpl_vertices, order, axis=0)
    code = jnp.take(smpl_vertex_code, order, axis=0)
    xlo = jnp.arange(0, XR, XBLK, dtype=jnp.int32)
    xhi = xlo + (XBLK - 1)
    lo = jnp.sum((base_x[None, :] < (xlo[:, None] - 3)), axis=1)
    hi = jnp.sum((base_x[None, :] <= (xhi[:, None] + 3)), axis=1)
    start = jnp.minimum(lo, VPAD - KBLK)
    start8 = start // 8
    full = ((hi - start8 * 8) > KBLK).astype(jnp.int32)
    start8 = jnp.where(full == 1, 0, start8).astype(jnp.int32)

    pad = VPAD - NV
    verts = jnp.pad(verts, ((0, pad), (0, 0)))
    code = jnp.pad(code, ((0, pad), (0, 0)))
    vx = verts[:, 0].reshape(1, VPAD)
    vy = verts[:, 1].reshape(1, VPAD)
    vz = verts[:, 2].reshape(VPAD, 1)

    wxt, wyt, bmat = pl.pallas_call(
        _tables_kernel,
        out_shape=[
            jax.ShapeDtypeStruct((XR, VPAD), jnp.float32),
            jax.ShapeDtypeStruct((YR, VPAD), jnp.float32),
            jax.ShapeDtypeStruct((VPAD, 4 * ZR), jnp.bfloat16),
        ],
    )(vx, vy, vz, code)

    grid_spec = pltpu.PrefetchScalarGridSpec(
        num_scalar_prefetch=2,
        grid=(NBLK,),
        in_specs=[
            pl.BlockSpec((XBLK, VPAD), lambda i, s, f: (i, 0)),
            pl.BlockSpec((YR, VPAD), lambda i, s, f: (0, 0)),
            pl.BlockSpec((VPAD, 4 * ZR), lambda i, s, f: (0, 0)),
            pl.BlockSpec((XBLK, YR, ZR), lambda i, s, f: (i, 0, 0)),
        ],
        out_specs=[
            pl.BlockSpec((XBLK, YR, 3 * ZR), lambda i, s, f: (i, 0, 0)),
            pl.BlockSpec((XBLK, YR, ZR), lambda i, s, f: (i, 0, 0)),
        ],
    )
    osem, ow = pl.pallas_call(
        _accum_kernel,
        grid_spec=grid_spec,
        out_shape=[
            jax.ShapeDtypeStruct((XR, YR, 3 * ZR), jnp.float32),
            jax.ShapeDtypeStruct((XR, YR, ZR), jnp.float32),
        ],
        compiler_params=pltpu.CompilerParams(
            dimension_semantics=("arbitrary",)),
    )(start8, full, wxt, wyt, bmat, occ_volume)

    semantic_volume = osem.reshape(XR, YR, ZR, 3)
    weight_sum_volume = ow
    return semantic_volume, weight_sum_volume

# --- scband reference (transcript-rebuilt; emitter-appended) ---
"""Pipeline reference for scband-sematic-voxelization-32057635897982 (READ-ONLY COPY).

The authoritative reference and input builder live on the scoring server;
editing this copy changes nothing except your own understanding.
"""

import jax, jax.numpy as jnp
import numpy as np

VOL_RES = (128, 192, 128)
H_NORMALIZE = 2.0
VOXEL_SIZE = H_NORMALIZE / VOL_RES[1]
SIGMA = H_NORMALIZE / VOL_RES[1]  # one-voxel gaussian sigma
R = int(np.ceil(3.0 * SIGMA / VOXEL_SIZE))  # truncation radius (3 voxels)
N_VERTS = 6890
N_FACES = 13776


def _window_offsets():
    rng = np.arange(-R, R + 1)
    dx, dy, dz = np.meshgrid(rng, rng, rng, indexing='ij')
    return jnp.asarray(np.stack([dx.ravel(), dy.ravel(), dz.ravel()], axis=1), dtype=jnp.int32)


def setup_inputs(seed: int = 0) -> dict:
    key = jax.random.key(seed)
    k1, k2, k3, k4 = jax.random.split(key, 4)
    # vertices roughly centered inside the normalized volume
    extent = 0.8 * H_NORMALIZE * jnp.array([VOL_RES[0] / VOL_RES[1], 1.0, VOL_RES[2] / VOL_RES[1]], dtype=jnp.float32)
    smpl_vertices = (jax.random.uniform(k1, (N_VERTS, 3), dtype=jnp.float32) - 0.5) * extent
    occ_volume = (jax.random.uniform(k2, VOL_RES, dtype=jnp.float32) > 0.5).astype(jnp.float32)
    smpl_vertex_code = jax.random.uniform(k3, (N_VERTS, 3), dtype=jnp.float32)
    smpl_face_indices = jax.random.randint(k4, (N_FACES, 3), 0, N_VERTS, dtype=jnp.int32)
    return {"smpl_vertices": smpl_vertices, "occ_volume": occ_volume,
            "smpl_vertex_code": smpl_vertex_code, "smpl_face_indices": smpl_face_indices}


def reference(smpl_vertices, occ_volume, smpl_vertex_code, smpl_face_indices):
    res_f = jnp.array(VOL_RES, dtype=jnp.float32)
    res_i = jnp.array(VOL_RES, dtype=jnp.int32)
    # vertices_to_faces: gather face vertex positions (passed to the CUDA kernel in torch)
    smpl_faces = smpl_vertices.reshape(-1, 3)[smpl_face_indices]  # [F, 3, 3]
    # fractional voxel coordinates of each vertex
    coords = smpl_vertices / VOXEL_SIZE + res_f * 0.5 - 0.5  # [V, 3]
    base = jnp.floor(coords).astype(jnp.int32)               # [V, 3]
    offs = _window_offsets()                                 # [W, 3]
    idx = base[:, None, :] + offs[None, :, :]                # [V, W, 3]
    in_bounds = jnp.all((idx >= 0) & (idx < res_i[None, None, :]), axis=-1)  # [V, W]
    idx_c = jnp.clip(idx, 0, res_i[None, None, :] - 1)
    # world-space voxel centers
    centers = (idx_c.astype(jnp.float32) + 0.5 - res_f[None, None, :] * 0.5) * VOXEL_SIZE  # [V, W, 3]
    d2 = jnp.sum((centers - smpl_vertices[:, None, :]) ** 2, axis=-1)  # [V, W]
    w = jnp.exp(-d2 / (2.0 * SIGMA * SIGMA))
    lin = idx_c[..., 0] * (VOL_RES[1] * VOL_RES[2]) + idx_c[..., 1] * VOL_RES[2] + idx_c[..., 2]  # [V, W]
    occ = jnp.take(occ_volume.reshape(-1), lin.reshape(-1)).reshape(lin.shape)
    w = w * in_bounds.astype(jnp.float32) * (occ > 1e-3).astype(jnp.float32)
    n_vox = VOL_RES[0] * VOL_RES[1] * VOL_RES[2]
    contrib = w[..., None] * smpl_vertex_code[:, None, :]  # [V, W, 3]
    semantic = jnp.zeros((n_vox, 3), dtype=jnp.float32).at[lin.reshape(-1)].add(contrib.reshape(-1, 3))
    weight_sum = jnp.full((n_vox,), 1e-3, dtype=jnp.float32).at[lin.reshape(-1)].add(w.reshape(-1))
    semantic_volume = semantic.reshape(VOL_RES + (3,))
    weight_sum_volume = weight_sum.reshape(VOL_RES)
    return semantic_volume, weight_sum_volume

if __name__ == "__main__":
    import jax
    _d = setup_inputs()
    print(jax.jit(kernel)(*tuple(_d.values())))

</pallas_src>

<mosaic_0001>
module attributes {stable_mosaic.version = 14 : i64} {
  func.func @_tables_kernel(%arg0: memref<1x6912xf32, #tpu.memory_space<vmem>>, %arg1: memref<1x6912xf32, #tpu.memory_space<vmem>>, %arg2: memref<6912x1xf32, #tpu.memory_space<vmem>>, %arg3: memref<6912x3xf32, #tpu.memory_space<vmem>>, %arg4: memref<128x6912xf32, #tpu.memory_space<vmem>>, %arg5: memref<192x6912xf32, #tpu.memory_space<vmem>>, %arg6: memref<6912x512xbf16, #tpu.memory_space<vmem>>) attributes {dimension_semantics = [], scalar_prefetch = 0 : i64, scratch_operands = 0 : i64, tpu.core_type = #tpu.core_type<tc>} {
    %iota3A = tpu.iota {dimensions = array<i32: 1>} : vector<1x6912xi32>
    %lt3A = arith.constant 6890 : i32
    %lt3A_0 = vector.broadcast %lt3A : i32 to vector<1x6912xi32>
    %lt3A_1 = arith.cmpi slt, %iota3A, %lt3A_0 : vector<1x6912xi32>
    %iota3A_2 = tpu.iota {dimensions = array<i32: 0>} : vector<128x1xi32>
    %convert_element_type3A = arith.sitofp %iota3A_2 : vector<128x1xi32> to vector<128x1xf32>
    %get3A = arith.constant 0 : index
    %get3A_3 = arith.constant 0 : index
    %get3A_4 = vector.load %arg0[%get3A, %get3A_3] : memref<1x6912xf32, #tpu.memory_space<vmem>>, vector<1x6912xf32>
    %div3A = arith.constant 0.010416667 : f32
    %div3A_5 = vector.broadcast %div3A : f32 to vector<1x6912xf32>
    %div3A_6 = arith.divf %get3A_4, %div3A_5 : vector<1x6912xf32>
    %add3A = arith.constant 6.350000e+01 : f32
    %add3A_7 = vector.broadcast %add3A : f32 to vector<1x6912xf32>
    %add3A_8 = arith.addf %div3A_6, %add3A_7 : vector<1x6912xf32>
    %floor3A = math.floor %add3A_8 : vector<1x6912xf32>
    %add3A_9 = arith.constant -6.350000e+01 : f32
    %add3A_10 = vector.broadcast %add3A_9 : f32 to vector<128x1xf32>
    %add3A_11 = arith.addf %convert_element_type3A, %add3A_10 : vector<128x1xf32>
    %mul3A = arith.constant 0.010416667 : f32
    %mul3A_12 = vector.broadcast %mul3A : f32 to vector<128x1xf32>
    %mul3A_13 = arith.mulf %add3A_11, %mul3A_12 : vector<128x1xf32>
    %sub3A = vector.broadcast %mul3A_13 : vector<128x1xf32> to vector<128x6912xf32>
    %sub3A_14 = vector.broadcast %get3A_4 : vector<1x6912xf32> to vector<128x6912xf32>
    %sub3A_15 = arith.subf %sub3A, %sub3A_14 : vector<128x6912xf32>
    %mul3A_16 = arith.mulf %sub3A_15, %sub3A_15 : vector<128x6912xf32>
    %neg3A = arith.constant 0.000000e+00 : f32
    %neg3A_17 = vector.broadcast %neg3A : f32 to vector<128x6912xf32>
    %neg3A_18 = arith.subf %neg3A_17, %mul3A_16 : vector<128x6912xf32>
    %mul3A_19 = arith.constant 4.608000e+03 : f32
    %mul3A_20 = vector.broadcast %mul3A_19 : f32 to vector<128x6912xf32>
    %mul3A_21 = arith.mulf %neg3A_18, %mul3A_20 : vector<128x6912xf32>
    %exp3A = math.exp %mul3A_21 : vector<128x6912xf32>
    %sub3A_22 = arith.constant 3.000000e+00 : f32
    %sub3A_23 = vector.broadcast %sub3A_22 : f32 to vector<1x6912xf32>
    %sub3A_24 = arith.subf %floor3A, %sub3A_23 : vector<1x6912xf32>
    %ge3A = vector.broadcast %convert_element_type3A : vector<128x1xf32> to vector<128x6912xf32>
    %ge3A_25 = vector.broadcast %sub3A_24 : vector<1x6912xf32> to vector<128x6912xf32>
    %ge3A_26 = arith.cmpf oge, %ge3A, %ge3A_25 : vector<128x6912xf32>
    %add3A_27 = arith.constant 3.000000e+00 : f32
    %add3A_28 = vector.broadcast %add3A_27 : f32 to vector<1x6912xf32>
    %add3A_29 = arith.addf %floor3A, %add3A_28 : vector<1x6912xf32>
    %le3A = vector.broadcast %convert_element_type3A : vector<128x1xf32> to vector<128x6912xf32>
    %le3A_30 = vector.broadcast %add3A_29 : vector<1x6912xf32> to vector<128x6912xf32>
    %le3A_31 = arith.cmpf ole, %le3A, %le3A_30 : vector<128x6912xf32>
    %and3A = arith.andi %ge3A_26, %le3A_31 : vector<128x6912xi1>
    %and3A_32 = vector.broadcast %lt3A_1 : vector<1x6912xi1> to vector<128x6912xi1>
    %and3A_33 = arith.andi %and3A, %and3A_32 : vector<128x6912xi1>
    %convert_element_type3A_34 = arith.extui %and3A_33 : vector<128x6912xi1> to vector<128x6912xi32>
    %convert_element_type3A_35 = arith.sitofp %convert_element_type3A_34 : vector<128x6912xi32> to vector<128x6912xf32>
    %mul3A_36 = arith.mulf %exp3A, %convert_element_type3A_35 : vector<128x6912xf32>
    %swap3A = arith.constant 0 : index
    %swap3A_37 = arith.constant 0 : index
    %swap3A_38 = vector.load %arg4[%swap3A, %swap3A_37] : memref<128x6912xf32, #tpu.memory_space<vmem>>, vector<128x6912xf32>
    tpu.vector_store %arg4[%swap3A, %swap3A_37], %mul3A_36 {strides = array<i32>} : memref<128x6912xf32, #tpu.memory_space<vmem>>, vector<128x6912xf32>,
    %iota3A_39 = tpu.iota {dimensions = array<i32: 0>} : vector<192x1xi32>
    %convert_element_type3A_40 = arith.sitofp %iota3A_39 : vector<192x1xi32> to vector<192x1xf32>
    %get3A_41 = arith.constant 0 : index
    %get3A_42 = arith.constant 0 : index
    %get3A_43 = vector.load %arg1[%get3A_41, %get3A_42] : memref<1x6912xf32, #tpu.memory_space<vmem>>, vector<1x6912xf32>
    %div3A_44 = arith.constant 0.010416667 : f32
    %div3A_45 = vector.broadcast %div3A_44 : f32 to vector<1x6912xf32>
    %div3A_46 = arith.divf %get3A_43, %div3A_45 : vector<1x6912xf32>
    %add3A_47 = arith.constant 9.550000e+01 : f32
    %add3A_48 = vector.broadcast %add3A_47 : f32 to vector<1x6912xf32>
    %add3A_49 = arith.addf %div3A_46, %add3A_48 : vector<1x6912xf32>
    %floor3A_50 = math.floor %add3A_49 : vector<1x6912xf32>
    %add3A_51 = arith.constant -9.550000e+01 : f32
    %add3A_52 = vector.broadcast %add3A_51 : f32 to vector<192x1xf32>
    %add3A_53 = arith.addf %convert_element_type3A_40, %add3A_52 : vector<192x1xf32>
    %mul3A_54 = arith.constant 0.010416667 : f32
    %mul3A_55 = vector.broadcast %mul3A_54 : f32 to vector<192x1xf32>
    %mul3A_56 = arith.mulf %add3A_53, %mul3A_55 : vector<192x1xf32>
    %sub3A_57 = vector.broadcast %mul3A_56 : vector<192x1xf32> to vector<192x6912xf32>
    %sub3A_58 = vector.broadcast %get3A_43 : vector<1x6912xf32> to vector<192x6912xf32>
    %sub3A_59 = arith.subf %sub3A_57, %sub3A_58 : vector<192x6912xf32>
    %mul3A_60 = arith.mulf %sub3A_59, %sub3A_59 : vector<192x6912xf32>
    %neg3A_61 = arith.constant 0.000000e+00 : f32
    %neg3A_62 = vector.broadcast %neg3A_61 : f32 to vector<192x6912xf32>
    %neg3A_63 = arith.subf %neg3A_62, %mul3A_60 : vector<192x6912xf32>
    %mul3A_64 = arith.constant 4.608000e+03 : f32
    %mul3A_65 = vector.broadcast %mul3A_64 : f32 to vector<192x6912xf32>
    %mul3A_66 = arith.mulf %neg3A_63, %mul3A_65 : vector<192x6912xf32>
    %exp3A_67 = math.exp %mul3A_66 : vector<192x6912xf32>
    %sub3A_68 = arith.constant 3.000000e+00 : f32
    %sub3A_69 = vector.broadcast %sub3A_68 : f32 to vector<1x6912xf32>
    %sub3A_70 = arith.subf %floor3A_50, %sub3A_69 : vector<1x6912xf32>
    %ge3A_71 = vector.broadcast %convert_element_type3A_40 : vector<192x1xf32> to vector<192x6912xf32>
    %ge3A_72 = vector.broadcast %sub3A_70 : vector<1x6912xf32> to vector<192x6912xf32>
    %ge3A_73 = arith.cmpf oge, %ge3A_71, %ge3A_72 : vector<192x6912xf32>
    %add3A_74 = arith.constant 3.000000e+00 : f32
    %add3A_75 = vector.broadcast %add3A_74 : f32 to vector<1x6912xf32>
    %add3A_76 = arith.addf %floor3A_50, %add3A_75 : vector<1x6912xf32>
    %le3A_77 = vector.broadcast %convert_element_type3A_40 : vector<192x1xf32> to vector<192x6912xf32>
    %le3A_78 = vector.broadcast %add3A_76 : vector<1x6912xf32> to vector<192x6912xf32>
    %le3A_79 = arith.cmpf ole, %le3A_77, %le3A_78 : vector<192x6912xf32>
    %and3A_80 = arith.andi %ge3A_73, %le3A_79 : vector<192x6912xi1>
    %and3A_81 = vector.broadcast %lt3A_1 : vector<1x6912xi1> to vector<192x6912xi1>
    %and3A_82 = arith.andi %and3A_80, %and3A_81 : vector<192x6912xi1>
    %convert_element_type3A_83 = arith.extui %and3A_82 : vector<192x6912xi1> to vector<192x6912xi32>
    %convert_element_type3A_84 = arith.sitofp %convert_element_type3A_83 : vector<192x6912xi32> to vector<192x6912xf32>
    %mul3A_85 = arith.mulf %exp3A_67, %convert_element_type3A_84 : vector<192x6912xf32>
    %swap3A_86 = arith.constant 0 : index
    %swap3A_87 = arith.constant 0 : index
    %swap3A_88 = vector.load %arg5[%swap3A_86, %swap3A_87] : memref<192x6912xf32, #tpu.memory_space<vmem>>, vector<192x6912xf32>
    tpu.vector_store %arg5[%swap3A_86, %swap3A_87], %mul3A_85 {strides = array<i32>} : memref<192x6912xf32, #tpu.memory_space<vmem>>, vector<192x6912xf32>,
    %iota3A_89 = tpu.iota {dimensions = array<i32: 0>} : vector<6912x1xi32>
    %lt3A_90 = arith.constant 6890 : i32
    %lt3A_91 = vector.broadcast %lt3A_90 : i32 to vector<6912x1xi32>
    %lt3A_92 = arith.cmpi slt, %iota3A_89, %lt3A_91 : vector<6912x1xi32>
    %iota3A_93 = tpu.iota {dimensions = array<i32: 1>} : vector<1x128xi32>
    %convert_element_type3A_94 = arith.sitofp %iota3A_93 : vector<1x128xi32> to vector<1x128xf32>
    %get3A_95 = arith.constant 0 : index
    %get3A_96 = arith.constant 0 : index
    %get3A_97 = vector.load %arg2[%get3A_95, %get3A_96] : memref<6912x1xf32, #tpu.memory_space<vmem>>, vector<6912x1xf32>
    %div3A_98 = arith.constant 0.010416667 : f32
    %div3A_99 = vector.broadcast %div3A_98 : f32 to vector<6912x1xf32>
    %div3A_100 = arith.divf %get3A_97, %div3A_99 : vector<6912x1xf32>
    %add3A_101 = arith.constant 6.350000e+01 : f32
    %add3A_102 = vector.broadcast %add3A_101 : f32 to vector<6912x1xf32>
    %add3A_103 = arith.addf %div3A_100, %add3A_102 : vector<6912x1xf32>
    %floor3A_104 = math.floor %add3A_103 : vector<6912x1xf32>
    %add3A_105 = arith.constant -6.350000e+01 : f32
    %add3A_106 = vector.broadcast %add3A_105 : f32 to vector<1x128xf32>
    %add3A_107 = arith.addf %convert_element_type3A_94, %add3A_106 : vector<1x128xf32>
    %mul3A_108 = arith.constant 0.010416667 : f32
    %mul3A_109 = vector.broadcast %mul3A_108 : f32 to vector<1x128xf32>
    %mul3A_110 = arith.mulf %add3A_107, %mul3A_109 : vector<1x128xf32>
    %sub3A_111 = vector.broadcast %mul3A_110 : vector<1x128xf32> to vector<6912x128xf32>
    %sub3A_112 = vector.broadcast %get3A_97 : vector<6912x1xf32> to vector<6912x128xf32>
    %sub3A_113 = arith.subf %sub3A_111, %sub3A_112 : vector<6912x128xf32>
    %mul3A_114 = arith.mulf %sub3A_113, %sub3A_113 : vector<6912x128xf32>
    %neg3A_115 = arith.constant 0.000000e+00 : f32
    %neg3A_116 = vector.broadcast %neg3A_115 : f32 to vector<6912x128xf32>
    %neg3A_117 = arith.subf %neg3A_116, %mul3A_114 : vector<6912x128xf32>
    %mul3A_118 = arith.constant 4.608000e+03 : f32
    %mul3A_119 = vector.broadcast %mul3A_118 : f32 to vector<6912x128xf32>
    %mul3A_120 = arith.mulf %neg3A_117, %mul3A_119 : vector<6912x128xf32>
    %exp3A_121 = math.exp %mul3A_120 : vector<6912x128xf32>
    %sub3A_122 = arith.constant 3.000000e+00 : f32
    %sub3A_123 = vector.broadcast %sub3A_122 : f32 to vector<6912x1xf32>
    %sub3A_124 = arith.subf %floor3A_104, %sub3A_123 : vector<6912x1xf32>
    %ge3A_125 = vector.broadcast %convert_element_type3A_94 : vector<1x128xf32> to vector<6912x128xf32>
    %ge3A_126 = vector.broadcast %sub3A_124 : vector<6912x1xf32> to vector<6912x128xf32>
    %ge3A_127 = arith.cmpf oge, %ge3A_125, %ge3A_126 : vector<6912x128xf32>
    %add3A_128 = arith.constant 3.000000e+00 : f32
    %add3A_129 = vector.broadcast %add3A_128 : f32 to vector<6912x1xf32>
    %add3A_130 = arith.addf %floor3A_104, %add3A_129 : vector<6912x1xf32>
    %le3A_131 = vector.broadcast %convert_element_type3A_94 : vector<1x128xf32> to vector<6912x128xf32>
    %le3A_132 = vector.broadcast %add3A_130 : vector<6912x1xf32> to vector<6912x128xf32>
    %le3A_133 = arith.cmpf ole, %le3A_131, %le3A_132 : vector<6912x128xf32>
    %and3A_134 = arith.andi %ge3A_127, %le3A_133 : vector<6912x128xi1>
    %and3A_135 = vector.broadcast %lt3A_92 : vector<6912x1xi1> to vector<6912x128xi1>
    %and3A_136 = arith.andi %and3A_134, %and3A_135 : vector<6912x128xi1>
    %convert_element_type3A_137 = arith.extui %and3A_136 : vector<6912x128xi1> to vector<6912x128xi32>
    %convert_element_type3A_138 = arith.sitofp %convert_element_type3A_137 : vector<6912x128xi32> to vector<6912x128xf32>
    %mul3A_139 = arith.mulf %exp3A_121, %convert_element_type3A_138 : vector<6912x128xf32>
    %convert_element_type3A_140 = arith.truncf %mul3A_139 : vector<6912x128xf32> to vector<6912x128xbf16>
    %swap3A_141 = arith.constant 0 : index
    %swap3A_142 = arith.constant 384 : index
    %swap3A_143 = vector.load %arg6[%swap3A_141, %swap3A_142] : memref<6912x512xbf16, #tpu.memory_space<vmem>>, vector<6912x128xbf16>
    tpu.vector_store %arg6[%swap3A_141, %swap3A_142], %convert_element_type3A_140 {strides = array<i32>} : memref<6912x512xbf16, #tpu.memory_space<vmem>>, vector<6912x128xbf16>,
    %iota3A_144 = tpu.iota {dimensions = array<i32: 0>} : vector<128x384xi32>
    %iota3A_145 = tpu.iota {dimensions = array<i32: 1>} : vector<128x384xi32>
    %jit3A = arith.constant 3 : i32
    %div3A_146 = vector.broadcast %jit3A : i32 to vector<128x384xi32>
    %div3A_147 = arith.divsi %iota3A_145, %div3A_146 : vector<128x384xi32>
    %sign3A = arith.constant 0 : i32
    %sign3A_148 = vector.broadcast %sign3A : i32 to vector<128x384xi32>
    %sign3A_149 = arith.cmpi sgt, %iota3A_145, %sign3A_148 : vector<128x384xi32>
    %sign3A_150 = arith.extui %sign3A_149 : vector<128x384xi1> to vector<128x384xi32>
    %sign3A_151 = arith.constant 0 : i32
    %sign3A_152 = vector.broadcast %sign3A_151 : i32 to vector<128x384xi32>
    %sign3A_153 = arith.cmpi slt, %iota3A_145, %sign3A_152 : vector<128x384xi32>
    %sign3A_154 = arith.extui %sign3A_153 : vector<128x384xi1> to vector<128x384xi32>
    %sign3A_155 = arith.subi %sign3A_150, %sign3A_154 : vector<128x384xi32>
    %sign3A_156 = arith.constant 0 : i32
    %sign3A_157 = arith.cmpi sgt, %jit3A, %sign3A_156 : i32
    %sign3A_158 = arith.extui %sign3A_157 : i1 to i32
    %sign3A_159 = arith.constant 0 : i32
    %sign3A_160 = arith.cmpi slt, %jit3A, %sign3A_159 : i32
    %sign3A_161 = arith.extui %sign3A_160 : i1 to i32
    %sign3A_162 = arith.subi %sign3A_158, %sign3A_161 : i32
    %ne3A = vector.broadcast %sign3A_162 : i32 to vector<128x384xi32>
    %ne3A_163 = arith.cmpi ne, %sign3A_155, %ne3A : vector<128x384xi32>
    %rem3A = vector.broadcast %jit3A : i32 to vector<128x384xi32>
    %rem3A_164 = arith.remsi %iota3A_145, %rem3A : vector<128x384xi32>
    %ne3A_165 = arith.constant 0 : i32
    %ne3A_166 = vector.broadcast %ne3A_165 : i32 to vector<128x384xi32>
    %ne3A_167 = arith.cmpi ne, %rem3A_164, %ne3A_166 : vector<128x384xi32>
    %and3A_168 = arith.andi %ne3A_163, %ne3A_167 : vector<128x384xi1>
    %sub3A_169 = arith.constant 1 : i32
    %sub3A_170 = vector.broadcast %sub3A_169 : i32 to vector<128x384xi32>
    %sub3A_171 = arith.subi %div3A_147, %sub3A_170 : vector<128x384xi32>
    %select_n3A = arith.select %and3A_168, %sub3A_171, %div3A_147 : vector<128x384xi1>, vector<128x384xi32>
    %eq3A = arith.cmpi eq, %select_n3A, %iota3A_144 : vector<128x384xi32>
    %convert_element_type3A_172 = arith.extui %eq3A : vector<128x384xi1> to vector<128x384xi32>
    %convert_element_type3A_173 = arith.sitofp %convert_element_type3A_172 : vector<128x384xi32> to vector<128x384xf32>
    %convert_element_type3A_174 = arith.truncf %convert_element_type3A_173 : vector<128x384xf32> to vector<128x384xbf16>
    %iota3A_175 = tpu.iota {dimensions = array<i32: 0>} : vector<8x384xi32>
    %iota3A_176 = tpu.iota {dimensions = array<i32: 1>} : vector<8x384xi32>
    %jit3A_177 = arith.constant 3 : i32
    %eq3A_178 = arith.constant 0 : i32
    %eq3A_179 = arith.cmpi eq, %jit3A_177, %eq3A_178 : i32
    %jit3A_180 = arith.constant 1 : i32
    %select_n3A_181 = arith.select %eq3A_179, %jit3A_180, %jit3A_177 : i32
    %rem3A_182 = vector.broadcast %select_n3A_181 : i32 to vector<8x384xi32>
    %rem3A_183 = arith.remsi %iota3A_176, %rem3A_182 : vector<8x384xi32>
    %ne3A_184 = arith.constant 0 : i32
    %ne3A_185 = vector.broadcast %ne3A_184 : i32 to vector<8x384xi32>
    %ne3A_186 = arith.cmpi ne, %rem3A_183, %ne3A_185 : vector<8x384xi32>
    %lt3A_187 = arith.constant 0 : i32
    %lt3A_188 = vector.broadcast %lt3A_187 : i32 to vector<8x384xi32>
    %lt3A_189 = arith.cmpi slt, %rem3A_183, %lt3A_188 : vector<8x384xi32>
    %lt3A_190 = arith.constant 0 : i32
    %lt3A_191 = arith.cmpi slt, %select_n3A_181, %lt3A_190 : i32
    %ne3A_192 = vector.broadcast %lt3A_191 : i1 to vector<8x384xi1>
    %ne3A_193 = vector.broadcast %ne3A_192 : vector<8x384xi1> to vector<8x384xi1>
    %ne3A_194 = arith.xori %lt3A_189, %ne3A_193 : vector<8x384xi1>
    %and3A_195 = arith.andi %ne3A_194, %ne3A_186 : vector<8x384xi1>
    %add3A_196 = vector.broadcast %select_n3A_181 : i32 to vector<8x384xi32>
    %add3A_197 = arith.addi %rem3A_183, %add3A_196 : vector<8x384xi32>
    %select_n3A_198 = arith.select %and3A_195, %add3A_197, %rem3A_183 : vector<8x384xi1>, vector<8x384xi32>
    %eq3A_199 = arith.cmpi eq, %select_n3A_198, %iota3A_175 : vector<8x384xi32>
    %convert_element_type3A_200 = arith.extui %eq3A_199 : vector<8x384xi1> to vector<8x384xi32>
    %convert_element_type3A_201 = arith.sitofp %convert_element_type3A_200 : vector<8x384xi32> to vector<8x384xf32>
    %convert_element_type3A_202 = arith.truncf %convert_element_type3A_201 : vector<8x384xf32> to vector<8x384xbf16>
    %convert_element_type3A_203 = arith.truncf %mul3A_139 : vector<6912x128xf32> to vector<6912x128xbf16>
    %dot_general3A = arith.constant dense<0.000000e+00> : vector<6912x384xf32>
    %dot_general3A_204 = tpu.matmul %convert_element_type3A_203, %convert_element_type3A_174, %dot_general3A {dimension_numbers = #tpu.dot_dimension_numbers<[1], [0], [0], [1], [0, 0, 1, 1], [], []>, transpose_lhs_hint = false} : vector<6912x128xbf16>, vector<128x384xbf16>, vector<6912x384xf32> -> vector<6912x384xf32>
    %get3A_205 = arith.constant 0 : index
    %get3A_206 = arith.constant 0 : index
    %get3A_207 = vector.load %arg3[%get3A_205, %get3A_206] : memref<6912x3xf32, #tpu.memory_space<vmem>>, vector<6912x3xf32>
    %broadcast_in_dim3A = arith.constant 0.000000e+00 : f32
    %broadcast_in_dim3A_208 = vector.broadcast %broadcast_in_dim3A : f32 to vector<6912x5xf32>
    %concatenate3A = tpu.concatenate %get3A_207, %broadcast_in_dim3A_208 in 1 : vector<6912x3xf32>, vector<6912x5xf32> -> vector<6912x8xf32>
    %convert_element_type3A_209 = arith.truncf %concatenate3A : vector<6912x8xf32> to vector<6912x8xbf16>
    %dot_general3A_210 = arith.constant dense<0.000000e+00> : vector<6912x384xf32>
    %dot_general3A_211 = tpu.matmul %convert_element_type3A_209, %convert_element_type3A_202, %dot_general3A_210 {dimension_numbers = #tpu.dot_dimension_numbers<[1], [0], [0], [1], [0, 0, 1, 1], [], []>, transpose_lhs_hint = false} : vector<6912x8xbf16>, vector<8x384xbf16>, vector<6912x384xf32> -> vector<6912x384xf32>
    %mul3A_212 = arith.mulf %dot_general3A_204, %dot_general3A_211 : vector<6912x384xf32>
    %convert_element_type3A_213 = arith.truncf %mul3A_212 : vector<6912x384xf32> to vector<6912x384xbf16>
    %swap3A_214 = arith.constant 0 : index
    %swap3A_215 = arith.constant 0 : index
    %swap3A_216 = vector.load %arg6[%swap3A_214, %swap3A_215] : memref<6912x512xbf16, #tpu.memory_space<vmem>>, vector<6912x384xbf16>
    tpu.vector_store %arg6[%swap3A_214, %swap3A_215], %convert_element_type3A_213 {strides = array<i32>} : memref<6912x512xbf16, #tpu.memory_space<vmem>>, vector<6912x384xbf16>,
    return
  }
}

module attributes {stable_mosaic.version = 14 : i64} {
  func.func @_accum_kernel(%arg0: i32, %arg1: memref<16xi32, #tpu.memory_space<smem>>, %arg2: memref<16xi32, #tpu.memory_space<smem>>, %arg3: memref<8x6912xf32, #tpu.memory_space<vmem>>, %arg4: memref<192x6912xf32, #tpu.memory_space<vmem>>, %arg5: memref<6912x512xbf16, #tpu.memory_space<vmem>>, %arg6: memref<8x192x128xf32, #tpu.memory_space<vmem>>, %arg7: memref<8x192x384xf32, #tpu.memory_space<vmem>>, %arg8: memref<8x192x128xf32, #tpu.memory_space<vmem>>) attributes {dimension_semantics = [#tpu.dimension_semantics<arbitrary>], iteration_bounds = array<i64: 16>, scalar_prefetch = 2 : i64, scratch_operands = 0 : i64, tpu.core_type = #tpu.core_type<tc>, window_params = [{transform_indices = @transform_0, window_bounds = array<i64: 8, 6912>}, {pipeline_mode = #tpu.pipeline_mode<synchronous>, transform_indices = @transform_1, window_bounds = array<i64: 192, 6912>}, {pipeline_mode = #tpu.pipeline_mode<synchronous>, transform_indices = @transform_2, window_bounds = array<i64: 6912, 512>}, {transform_indices = @transform_3, window_bounds = array<i64: 8, 192, 128>}, {transform_indices = @transform_4, window_bounds = array<i64: 8, 192, 384>}, {transform_indices = @transform_5, window_bounds = array<i64: 8, 192, 128>}]} {
    %iota3A = tpu.iota {dimensions = array<i32: 0>} : vector<128x384xi32>
    %iota3A_0 = tpu.iota {dimensions = array<i32: 1>} : vector<128x384xi32>
    %jit3A = arith.constant 3 : i32
    %div3A = vector.broadcast %jit3A : i32 to vector<128x384xi32>
    %div3A_1 = arith.divsi %iota3A_0, %div3A : vector<128x384xi32>
    %sign3A = arith.constant 0 : i32
    %sign3A_2 = vector.broadcast %sign3A : i32 to vector<128x384xi32>
    %sign3A_3 = arith.cmpi sgt, %iota3A_0, %sign3A_2 : vector<128x384xi32>
    %sign3A_4 = arith.extui %sign3A_3 : vector<128x384xi1> to vector<128x384xi32>
    %sign3A_5 = arith.constant 0 : i32
    %sign3A_6 = vector.broadcast %sign3A_5 : i32 to vector<128x384xi32>
    %sign3A_7 = arith.cmpi slt, %iota3A_0, %sign3A_6 : vector<128x384xi32>
    %sign3A_8 = arith.extui %sign3A_7 : vector<128x384xi1> to vector<128x384xi32>
    %sign3A_9 = arith.subi %sign3A_4, %sign3A_8 : vector<128x384xi32>
    %sign3A_10 = arith.constant 0 : i32
    %sign3A_11 = arith.cmpi sgt, %jit3A, %sign3A_10 : i32
    %sign3A_12 = arith.extui %sign3A_11 : i1 to i32
    %sign3A_13 = arith.constant 0 : i32
    %sign3A_14 = arith.cmpi slt, %jit3A, %sign3A_13 : i32
    %sign3A_15 = arith.extui %sign3A_14 : i1 to i32
    %sign3A_16 = arith.subi %sign3A_12, %sign3A_15 : i32
    %ne3A = vector.broadcast %sign3A_16 : i32 to vector<128x384xi32>
    %ne3A_17 = arith.cmpi ne, %sign3A_9, %ne3A : vector<128x384xi32>
    %rem3A = vector.broadcast %jit3A : i32 to vector<128x384xi32>
    %rem3A_18 = arith.remsi %iota3A_0, %rem3A : vector<128x384xi32>
    %ne3A_19 = arith.constant 0 : i32
    %ne3A_20 = vector.broadcast %ne3A_19 : i32 to vector<128x384xi32>
    %ne3A_21 = arith.cmpi ne, %rem3A_18, %ne3A_20 : vector<128x384xi32>
    %and3A = arith.andi %ne3A_17, %ne3A_21 : vector<128x384xi1>
    %sub3A = arith.constant 1 : i32
    %sub3A_22 = vector.broadcast %sub3A : i32 to vector<128x384xi32>
    %sub3A_23 = arith.subi %div3A_1, %sub3A_22 : vector<128x384xi32>
    %select_n3A = arith.select %and3A, %sub3A_23, %div3A_1 : vector<128x384xi1>, vector<128x384xi32>
    %eq3A = arith.cmpi eq, %select_n3A, %iota3A : vector<128x384xi32>
    %convert_element_type3A = arith.extui %eq3A : vector<128x384xi1> to vector<128x384xi32>
    %convert_element_type3A_24 = arith.sitofp %convert_element_type3A : vector<128x384xi32> to vector<128x384xf32>
    %convert_element_type3A_25 = arith.truncf %convert_element_type3A_24 : vector<128x384xf32> to vector<128x384xbf16>
    %get3A = arith.index_cast %arg0 : i32 to index
    %get3A_26 = memref.load %arg1[%get3A] : memref<16xi32, #tpu.memory_space<smem>>
    %mul3A = arith.constant 8 : i32
    %mul3A_27 = arith.muli %get3A_26, %mul3A : i32
    %get3A_28 = arith.index_cast %arg0 : i32 to index
    %get3A_29 = memref.load %arg2[%get3A_28] : memref<16xi32, #tpu.memory_space<smem>>
    %eq3A_30 = arith.constant 0 : i32
    %eq3A_31 = arith.cmpi eq, %get3A_29, %eq3A_30 : i32
    %convert_element_type3A_32 = arith.extui %eq3A_31 : i1 to i32
    %cond3A = arith.constant 0 : i32
    %cond3A_33 = arith.cmpi ne, %convert_element_type3A_32, %cond3A : i32
    scf.if %cond3A_33 {
      %eq3A_34 = arith.constant 0 : i32
      %eq3A_35 = arith.cmpi eq, %mul3A_27, %eq3A_34 : i32
      %sub3A_36 = arith.constant 6912 : i32
      %sub3A_37 = arith.subi %sub3A_36, %mul3A_27 : i32
      %jit3A_38 = arith.constant 0 : i32
      %select_n3A_39 = arith.select %eq3A_35, %jit3A_38, %sub3A_37 : i32
      %get3A_40 = arith.constant 0 : index
      %get3A_41 = arith.constant 0 : index
      %get3A_42 = vector.load %arg4[%get3A_40, %get3A_41] : memref<192x6912xf32, #tpu.memory_space<vmem>>, vector<192x6912xf32>
      %roll3A = tpu.dynamic_rotate %get3A_42 by %select_n3A_39 dim 1 : vector<192x6912xf32>, i32 -> vector<192x6912xf32>
      %slice3A = vector.extract_strided_slice %roll3A {offsets = [0, 0], sizes = [192, 1024], strides = [1, 1]} : vector<192x6912xf32> to vector<192x1024xf32>
      %get3A_43 = arith.constant 0 : index
      %get3A_44 = arith.constant 0 : index
      %get3A_45 = vector.load %arg3[%get3A_43, %get3A_44] : memref<8x6912xf32, #tpu.memory_space<vmem>>, vector<8x6912xf32>
      %roll3A_46 = tpu.dynamic_rotate %get3A_45 by %select_n3A_39 dim 1 : vector<8x6912xf32>, i32 -> vector<8x6912xf32>
      %slice3A_47 = vector.extract_strided_slice %roll3A_46 {offsets = [0, 0], sizes = [8, 1024], strides = [1, 1]} : vector<8x6912xf32> to vector<8x1024xf32>
      %get3A_48 = arith.index_cast %mul3A_27 : i32 to index
      %get3A_49 = arith.constant 0 : index
      %get3A_50 = vector.load %arg5[%get3A_48, %get3A_49] : memref<6912x512xbf16, #tpu.memory_space<vmem>>, vector<1024x512xbf16>
      %slice3A_51 = vector.extract_strided_slice %slice3A_47 {offsets = [0, 0], sizes = [1, 1024], strides = [1, 1]} : vector<8x1024xf32> to vector<1x1024xf32>
      %mul3A_52 = vector.broadcast %slice3A_51 : vector<1x1024xf32> to vector<192x1024xf32>
      %mul3A_53 = arith.mulf %slice3A, %mul3A_52 : vector<192x1024xf32>
      %convert_element_type3A_54 = arith.truncf %mul3A_53 : vector<192x1024xf32> to vector<192x1024xbf16>
      %dot_general3A = arith.constant dense<0.000000e+00> : vector<192x512xf32>
      %dot_general3A_55 = tpu.matmul %convert_element_type3A_54, %get3A_50, %dot_general3A {dimension_numbers = #tpu.dot_dimension_numbers<[1], [0], [0], [1], [0, 0, 1, 1], [], []>, transpose_lhs_hint = false} : vector<192x1024xbf16>, vector<1024x512xbf16>, vector<192x512xf32> -> vector<192x512xf32>
      %get3A_56 = arith.constant 0 : index
      %get3A_57 = arith.constant 0 : index
      %get3A_58 = arith.constant 0 : index
      %get3A_59 = vector.load %arg6[%get3A_56, %get3A_57, %get3A_58] : memref<8x192x128xf32, #tpu.memory_space<vmem>>, vector<1x192x128xf32>
      %get3A_60 = vector.shape_cast %get3A_59 : vector<1x192x128xf32> to vector<192x128xf32>
      %gt3A = arith.constant 1.000000e-03 : f32
      %gt3A_61 = vector.broadcast %gt3A : f32 to vector<192x128xf32>
      %gt3A_62 = arith.cmpf ogt, %get3A_60, %gt3A_61 : vector<192x128xf32>
      %convert_element_type3A_63 = arith.extui %gt3A_62 : vector<192x128xi1> to vector<192x128xi32>
      %convert_element_type3A_64 = arith.sitofp %convert_element_type3A_63 : vector<192x128xi32> to vector<192x128xf32>
      %convert_element_type3A_65 = arith.truncf %convert_element_type3A_64 : vector<192x128xf32> to vector<192x128xbf16>
      %dot_general3A_66 = arith.constant dense<0.000000e+00> : vector<192x384xf32>
      %dot_general3A_67 = tpu.matmul %convert_element_type3A_65, %convert_element_type3A_25, %dot_general3A_66 {dimension_numbers = #tpu.dot_dimension_numbers<[1], [0], [0], [1], [0, 0, 1, 1], [], []>, transpose_lhs_hint = false} : vector<192x128xbf16>, vector<128x384xbf16>, vector<192x384xf32> -> vector<192x384xf32>
      %slice3A_68 = vector.extract_strided_slice %dot_general3A_55 {offsets = [0, 0], sizes = [192, 384], strides = [1, 1]} : vector<192x512xf32> to vector<192x384xf32>
      %mul3A_69 = arith.mulf %slice3A_68, %dot_general3A_67 : vector<192x384xf32>
      %swap3A = arith.constant 0 : index
      %swap3A_70 = arith.constant 0 : index
      %swap3A_71 = arith.constant 0 : index
      %swap3A_72 = vector.load %arg7[%swap3A, %swap3A_70, %swap3A_71] : memref<8x192x384xf32, #tpu.memory_space<vmem>>, vector<1x192x384xf32>
      %swap3A_73 = vector.shape_cast %swap3A_72 : vector<1x192x384xf32> to vector<192x384xf32>
      %swap3A_74 = vector.shape_cast %mul3A_69 : vector<192x384xf32> to vector<1x192x384xf32>
      tpu.vector_store %arg7[%swap3A, %swap3A_70, %swap3A_71], %swap3A_74 {strides = array<i32>} : memref<8x192x384xf32, #tpu.memory_space<vmem>>, vector<1x192x384xf32>,
      %slice3A_75 = vector.extract_strided_slice %dot_general3A_55 {offsets = [0, 384], sizes = [192, 128], strides = [1, 1]} : vector<192x512xf32> to vector<192x128xf32>
      %convert_element_type3A_76 = arith.extf %convert_element_type3A_65 : vector<192x128xbf16> to vector<192x128xf32>
      %mul3A_77 = arith.mulf %slice3A_75, %convert_element_type3A_76 : vector<192x128xf32>
      %add3A = arith.constant 1.000000e-03 : f32
      %add3A_78 = vector.broadcast %add3A : f32 to vector<192x128xf32>
      %add3A_79 = arith.addf %mul3A_77, %add3A_78 : vector<192x128xf32>
      %swap3A_80 = arith.constant 0 : index
      %swap3A_81 = arith.constant 0 : index
      %swap3A_82 = arith.constant 0 : index
      %swap3A_83 = vector.load %arg8[%swap3A_80, %swap3A_81, %swap3A_82] : memref<8x192x128xf32, #tpu.memory_space<vmem>>, vector<1x192x128xf32>
      %swap3A_84 = vector.shape_cast %swap3A_83 : vector<1x192x128xf32> to vector<192x128xf32>
      %swap3A_85 = vector.shape_cast %add3A_79 : vector<192x128xf32> to vector<1x192x128xf32>
      tpu.vector_store %arg8[%swap3A_80, %swap3A_81, %swap3A_82], %swap3A_85 {strides = array<i32>} : memref<8x192x128xf32, #tpu.memory_space<vmem>>, vector<1x192x128xf32>,
      %slice3A_86 = vector.extract_strided_slice %slice3A_47 {offsets = [1, 0], sizes = [1, 1024], strides = [1, 1]} : vector<8x1024xf32> to vector<1x1024xf32>
      %mul3A_87 = vector.broadcast %slice3A_86 : vector<1x1024xf32> to vector<192x1024xf32>
      %mul3A_88 = arith.mulf %slice3A, %mul3A_87 : vector<192x1024xf32>
      %convert_element_type3A_89 = arith.truncf %mul3A_88 : vector<192x1024xf32> to vector<192x1024xbf16>
      %dot_general3A_90 = arith.constant dense<0.000000e+00> : vector<192x512xf32>
      %dot_general3A_91 = tpu.matmul %convert_element_type3A_89, %get3A_50, %dot_general3A_90 {dimension_numbers = #tpu.dot_dimension_numbers<[1], [0], [0], [1], [0, 0, 1, 1], [], []>, transpose_lhs_hint = false} : vector<192x1024xbf16>, vector<1024x512xbf16>, vector<192x512xf32> -> vector<192x512xf32>
      %get3A_92 = arith.constant 1 : index
      %get3A_93 = arith.constant 0 : index
      %get3A_94 = arith.constant 0 : index
      %get3A_95 = vector.load %arg6[%get3A_92, %get3A_93, %get3A_94] : memref<8x192x128xf32, #tpu.memory_space<vmem>>, vector<1x192x128xf32>
      %get3A_96 = vector.shape_cast %get3A_95 : vector<1x192x128xf32> to vector<192x128xf32>
      %gt3A_97 = arith.constant 1.000000e-03 : f32
      %gt3A_98 = vector.broadcast %gt3A_97 : f32 to vector<192x128xf32>
      %gt3A_99 = arith.cmpf ogt, %get3A_96, %gt3A_98 : vector<192x128xf32>
      %convert_element_type3A_100 = arith.extui %gt3A_99 : vector<192x128xi1> to vector<192x128xi32>
      %convert_element_type3A_101 = arith.sitofp %convert_element_type3A_100 : vector<192x128xi32> to vector<192x128xf32>
      %convert_element_type3A_102 = arith.truncf %convert_element_type3A_101 : vector<192x128xf32> to vector<192x128xbf16>
      %dot_general3A_103 = arith.constant dense<0.000000e+00> : vector<192x384xf32>
      %dot_general3A_104 = tpu.matmul %convert_element_type3A_102, %convert_element_type3A_25, %dot_general3A_103 {dimension_numbers = #tpu.dot_dimension_numbers<[1], [0], [0], [1], [0, 0, 1, 1], [], []>, transpose_lhs_hint = false} : vector<192x128xbf16>, vector<128x384xbf16>, vector<192x384xf32> -> vector<192x384xf32>
      %slice3A_105 = vector.extract_strided_slice %dot_general3A_91 {offsets = [0, 0], sizes = [192, 384], strides = [1, 1]} : vector<192x512xf32> to vector<192x384xf32>
      %mul3A_106 = arith.mulf %slice3A_105, %dot_general3A_104 : vector<192x384xf32>
      %swap3A_107 = arith.constant 1 : index
      %swap3A_108 = arith.constant 0 : index
      %swap3A_109 = arith.constant 0 : index
      %swap3A_110 = vector.load %arg7[%swap3A_107, %swap3A_108, %swap3A_109] : memref<8x192x384xf32, #tpu.memory_space<vmem>>, vector<1x192x384xf32>
      %swap3A_111 = vector.shape_cast %swap3A_110 : vector<1x192x384xf32> to vector<192x384xf32>
      %swap3A_112 = vector.shape_cast %mul3A_106 : vector<192x384xf32> to vector<1x192x384xf32>
      tpu.vector_store %arg7[%swap3A_107, %swap3A_108, %swap3A_109], %swap3A_112 {strides = array<i32>} : memref<8x192x384xf32, #tpu.memory_space<vmem>>, vector<1x192x384xf32>,
      %slice3A_113 = vector.extract_strided_slice %dot_general3A_91 {offsets = [0, 384], sizes = [192, 128], strides = [1, 1]} : vector<192x512xf32> to vector<192x128xf32>
      %convert_element_type3A_114 = arith.extf %convert_element_type3A_102 : vector<192x128xbf16> to vector<192x128xf32>
      %mul3A_115 = arith.mulf %slice3A_113, %convert_element_type3A_114 : vector<192x128xf32>
      %add3A_116 = arith.constant 1.000000e-03 : f32
      %add3A_117 = vector.broadcast %add3A_116 : f32 to vector<192x128xf32>
      %add3A_118 = arith.addf %mul3A_115, %add3A_117 : vector<192x128xf32>
      %swap3A_119 = arith.constant 1 : index
      %swap3A_120 = arith.constant 0 : index
      %swap3A_121 = arith.constant 0 : index
      %swap3A_122 = vector.load %arg8[%swap3A_119, %swap3A_120, %swap3A_121] : memref<8x192x128xf32, #tpu.memory_space<vmem>>, vector<1x192x128xf32>
      %swap3A_123 = vector.shape_cast %swap3A_122 : vector<1x192x128xf32> to vector<192x128xf32>
      %swap3A_124 = vector.shape_cast %add3A_118 : vector<192x128xf32> to vector<1x192x128xf32>
      tpu.vector_store %arg8[%swap3A_119, %swap3A_120, %swap3A_121], %swap3A_124 {strides = array<i32>} : memref<8x192x128xf32, #tpu.memory_space<vmem>>, vector<1x192x128xf32>,
      %slice3A_125 = vector.extract_strided_slice %slice3A_47 {offsets = [2, 0], sizes = [1, 1024], strides = [1, 1]} : vector<8x1024xf32> to vector<1x1024xf32>
      %mul3A_126 = vector.broadcast %slice3A_125 : vector<1x1024xf32> to vector<192x1024xf32>
      %mul3A_127 = arith.mulf %slice3A, %mul3A_126 : vector<192x1024xf32>
      %convert_element_type3A_128 = arith.truncf %mul3A_127 : vector<192x1024xf32> to vector<192x1024xbf16>
      %dot_general3A_129 = arith.constant dense<0.000000e+00> : vector<192x512xf32>
      %dot_general3A_130 = tpu.matmul %convert_element_type3A_128, %get3A_50, %dot_general3A_129 {dimension_numbers = #tpu.dot_dimension_numbers<[1], [0], [0], [1], [0, 0, 1, 1], [], []>, transpose_lhs_hint = false} : vector<192x1024xbf16>, vector<1024x512xbf16>, vector<192x512xf32> -> vector<192x512xf32>
      %get3A_131 = arith.constant 2 : index
      %get3A_132 = arith.constant 0 : index
      %get3A_133 = arith.constant 0 : index
      %get3A_134 = vector.load %arg6[%get3A_131, %get3A_132, %get3A_133] : memref<8x192x128xf32, #tpu.memory_space<vmem>>, vector<1x192x128xf32>
      %get3A_135 = vector.shape_cast %get3A_134 : vector<1x192x128xf32> to vector<192x128xf32>
      %gt3A_136 = arith.constant 1.000000e-03 : f32
      %gt3A_137 = vector.broadcast %gt3A_136 : f32 to vector<192x128xf32>
      %gt3A_138 = arith.cmpf ogt, %get3A_135, %gt3A_137 : vector<192x128xf32>
      %convert_element_type3A_139 = arith.extui %gt3A_138 : vector<192x128xi1> to vector<192x128xi32>
      %convert_element_type3A_140 = arith.sitofp %convert_element_type3A_139 : vector<192x128xi32> to vector<192x128xf32>
      %convert_element_type3A_141 = arith.truncf %convert_element_type3A_140 : vector<192x128xf32> to vector<192x128xbf16>
      %dot_general3A_142 = arith.constant dense<0.000000e+00> : vector<192x384xf32>
      %dot_general3A_143 = tpu.matmul %convert_element_type3A_141, %convert_element_type3A_25, %dot_general3A_142 {dimension_numbers = #tpu.dot_dimension_numbers<[1], [0], [0], [1], [0, 0, 1, 1], [], []>, transpose_lhs_hint = false} : vector<192x128xbf16>, vector<128x384xbf16>, vector<192x384xf32> -> vector<192x384xf32>
      %slice3A_144 = vector.extract_strided_slice %dot_general3A_130 {offsets = [0, 0], sizes = [192, 384], strides = [1, 1]} : vector<192x512xf32> to vector<192x384xf32>
      %mul3A_145 = arith.mulf %slice3A_144, %dot_general3A_143 : vector<192x384xf32>
      %swap3A_146 = arith.constant 2 : index
      %swap3A_147 = arith.constant 0 : index
      %swap3A_148 = arith.constant 0 : index
      %swap3A_149 = vector.load %arg7[%swap3A_146, %swap3A_147, %swap3A_148] : memref<8x192x384xf32, #tpu.memory_space<vmem>>, vector<1x192x384xf32>
      %swap3A_150 = vector.shape_cast %swap3A_149 : vector<1x192x384xf32> to vector<192x384xf32>
      %swap3A_151 = vector.shape_cast %mul3A_145 : vector<192x384xf32> to vector<1x192x384xf32>
      tpu.vector_store %arg7[%swap3A_146, %swap3A_147, %swap3A_148], %swap3A_151 {strides = array<i32>} : memref<8x192x384xf32, #tpu.memory_space<vmem>>, vector<1x192x384xf32>,
      %slice3A_152 = vector.extract_strided_slice %dot_general3A_130 {offsets = [0, 384], sizes = [192, 128], strides = [1, 1]} : vector<192x512xf32> to vector<192x128xf32>
      %convert_element_type3A_153 = arith.extf %convert_element_type3A_141 : vector<192x128xbf16> to vector<192x128xf32>
      %mul3A_154 = arith.mulf %slice3A_152, %convert_element_type3A_153 : vector<192x128xf32>
      %add3A_155 = arith.constant 1.000000e-03 : f32
      %add3A_156 = vector.broadcast %add3A_155 : f32 to vector<192x128xf32>
      %add3A_157 = arith.addf %mul3A_154, %add3A_156 : vector<192x128xf32>
      %swap3A_158 = arith.constant 2 : index
      %swap3A_159 = arith.constant 0 : index
      %swap3A_160 = arith.constant 0 : index
      %swap3A_161 = vector.load %arg8[%swap3A_158, %swap3A_159, %swap3A_160] : memref<8x192x128xf32, #tpu.memory_space<vmem>>, vector<1x192x128xf32>
      %swap3A_162 = vector.shape_cast %swap3A_161 : vector<1x192x128xf32> to vector<192x128xf32>
      %swap3A_163 = vector.shape_cast %add3A_157 : vector<192x128xf32> to vector<1x192x128xf32>
      tpu.vector_store %arg8[%swap3A_158, %swap3A_159, %swap3A_160], %swap3A_163 {strides = array<i32>} : memref<8x192x128xf32, #tpu.memory_space<vmem>>, vector<1x192x128xf32>,
      %slice3A_164 = vector.extract_strided_slice %slice3A_47 {offsets = [3, 0], sizes = [1, 1024], strides = [1, 1]} : vector<8x1024xf32> to vector<1x1024xf32>
      %mul3A_165 = vector.broadcast %slice3A_164 : vector<1x1024xf32> to vector<192x1024xf32>
      %mul3A_166 = arith.mulf %slice3A, %mul3A_165 : vector<192x1024xf32>
      %convert_element_type3A_167 = arith.truncf %mul3A_166 : vector<192x1024xf32> to vector<192x1024xbf16>
      %dot_general3A_168 = arith.constant dense<0.000000e+00> : vector<192x512xf32>
      %dot_general3A_169 = tpu.matmul %convert_element_type3A_167, %get3A_50, %dot_general3A_168 {dimension_numbers = #tpu.dot_dimension_numbers<[1], [0], [0], [1], [0, 0, 1, 1], [], []>, transpose_lhs_hint = false} : vector<192x1024xbf16>, vector<1024x512xbf16>, vector<192x512xf32> -> vector<192x512xf32>
      %get3A_170 = arith.constant 3 : index
      %get3A_171 = arith.constant 0 : index
      %get3A_172 = arith.constant 0 : index
      %get3A_173 = vector.load %arg6[%get3A_170, %get3A_171, %get3A_172] : memref<8x192x128xf32, #tpu.memory_space<vmem>>, vector<1x192x128xf32>
      %get3A_174 = vector.shape_cast %get3A_173 : vector<1x192x128xf32> to vector<192x128xf32>
      %gt3A_175 = arith.constant 1.000000e-03 : f32
      %gt3A_176 = vector.broadcast %gt3A_175 : f32 to vector<192x128xf32>
      %gt3A_177 = arith.cmpf ogt, %get3A_174, %gt3A_176 : vector<192x128xf32>
      %convert_element_type3A_178 = arith.extui %gt3A_177 : vector<192x128xi1> to vector<192x128xi32>
      %convert_element_type3A_179 = arith.sitofp %convert_element_type3A_178 : vector<192x128xi32> to vector<192x128xf32>
      %convert_element_type3A_180 = arith.truncf %convert_element_type3A_179 : vector<192x128xf32> to vector<192x128xbf16>
      %dot_general3A_181 = arith.constant dense<0.000000e+00> : vector<192x384xf32>
      %dot_general3A_182 = tpu.matmul %convert_element_type3A_180, %convert_element_type3A_25, %dot_general3A_181 {dimension_numbers = #tpu.dot_dimension_numbers<[1], [0], [0], [1], [0, 0, 1, 1], [], []>, transpose_lhs_hint = false} : vector<192x128xbf16>, vector<128x384xbf16>, vector<192x384xf32> -> vector<192x384xf32>
      %slice3A_183 = vector.extract_strided_slice %dot_general3A_169 {offsets = [0, 0], sizes = [192, 384], strides = [1, 1]} : vector<192x512xf32> to vector<192x384xf32>
      %mul3A_184 = arith.mulf %slice3A_183, %dot_general3A_182 : vector<192x384xf32>
      %swap3A_185 = arith.constant 3 : index
      %swap3A_186 = arith.constant 0 : index
      %swap3A_187 = arith.constant 0 : index
      %swap3A_188 = vector.load %arg7[%swap3A_185, %swap3A_186, %swap3A_187] : memref<8x192x384xf32, #tpu.memory_space<vmem>>, vector<1x192x384xf32>
      %swap3A_189 = vector.shape_cast %swap3A_188 : vector<1x192x384xf32> to vector<192x384xf32>
      %swap3A_190 = vector.shape_cast %mul3A_184 : vector<192x384xf32> to vector<1x192x384xf32>
      tpu.vector_store %arg7[%swap3A_185, %swap3A_186, %swap3A_187], %swap3A_190 {strides = array<i32>} : memref<8x192x384xf32, #tpu.memory_space<vmem>>, vector<1x192x384xf32>,
      %slice3A_191 = vector.extract_strided_slice %dot_general3A_169 {offsets = [0, 384], sizes = [192, 128], strides = [1, 1]} : vector<192x512xf32> to vector<192x128xf32>
      %convert_element_type3A_192 = arith.extf %convert_element_type3A_180 : vector<192x128xbf16> to vector<192x128xf32>
      %mul3A_193 = arith.mulf %slice3A_191, %convert_element_type3A_192 : vector<192x128xf32>
      %add3A_194 = arith.constant 1.000000e-03 : f32
      %add3A_195 = vector.broadcast %add3A_194 : f32 to vector<192x128xf32>
      %add3A_196 = arith.addf %mul3A_193, %add3A_195 : vector<192x128xf32>
      %swap3A_197 = arith.constant 3 : index
      %swap3A_198 = arith.constant 0 : index
      %swap3A_199 = arith.constant 0 : index
      %swap3A_200 = vector.load %arg8[%swap3A_197, %swap3A_198, %swap3A_199] : memref<8x192x128xf32, #tpu.memory_space<vmem>>, vector<1x192x128xf32>
      %swap3A_201 = vector.shape_cast %swap3A_200 : vector<1x192x128xf32> to vector<192x128xf32>
      %swap3A_202 = vector.shape_cast %add3A_196 : vector<192x128xf32> to vector<1x192x128xf32>
      tpu.vector_store %arg8[%swap3A_197, %swap3A_198, %swap3A_199], %swap3A_202 {strides = array<i32>} : memref<8x192x128xf32, #tpu.memory_space<vmem>>, vector<1x192x128xf32>,
      %slice3A_203 = vector.extract_strided_slice %slice3A_47 {offsets = [4, 0], sizes = [1, 1024], strides = [1, 1]} : vector<8x1024xf32> to vector<1x1024xf32>
      %mul3A_204 = vector.broadcast %slice3A_203 : vector<1x1024xf32> to vector<192x1024xf32>
      %mul3A_205 = arith.mulf %slice3A, %mul3A_204 : vector<192x1024xf32>
      %convert_element_type3A_206 = arith.truncf %mul3A_205 : vector<192x1024xf32> to vector<192x1024xbf16>
      %dot_general3A_207 = arith.constant dense<0.000000e+00> : vector<192x512xf32>
      %dot_general3A_208 = tpu.matmul %convert_element_type3A_206, %get3A_50, %dot_general3A_207 {dimension_numbers = #tpu.dot_dimension_numbers<[1], [0], [0], [1], [0, 0, 1, 1], [], []>, transpose_lhs_hint = false} : vector<192x1024xbf16>, vector<1024x512xbf16>, vector<192x512xf32> -> vector<192x512xf32>
      %get3A_209 = arith.constant 4 : index
      %get3A_210 = arith.constant 0 : index
      %get3A_211 = arith.constant 0 : index
      %get3A_212 = vector.load %arg6[%get3A_209, %get3A_210, %get3A_211] : memref<8x192x128xf32, #tpu.memory_space<vmem>>, vector<1x192x128xf32>
      %get3A_213 = vector.shape_cast %get3A_212 : vector<1x192x128xf32> to vector<192x128xf32>
      %gt3A_214 = arith.constant 1.000000e-03 : f32
      %gt3A_215 = vector.broadcast %gt3A_214 : f32 to vector<192x128xf32>
      %gt3A_216 = arith.cmpf ogt, %get3A_213, %gt3A_215 : vector<192x128xf32>
      %convert_element_type3A_217 = arith.extui %gt3A_216 : vector<192x128xi1> to vector<192x128xi32>
      %convert_element_type3A_218 = arith.sitofp %convert_element_type3A_217 : vector<192x128xi32> to vector<192x128xf32>
      %convert_element_type3A_219 = arith.truncf %convert_element_type3A_218 : vector<192x128xf32> to vector<192x128xbf16>
      %dot_general3A_220 = arith.constant dense<0.000000e+00> : vector<192x384xf32>
      %dot_general3A_221 = tpu.matmul %convert_element_type3A_219, %convert_element_type3A_25, %dot_general3A_220 {dimension_numbers = #tpu.dot_dimension_numbers<[1], [0], [0], [1], [0, 0, 1, 1], [], []>, transpose_lhs_hint = false} : vector<192x128xbf16>, vector<128x384xbf16>, vector<192x384xf32> -> vector<192x384xf32>
      %slice3A_222 = vector.extract_strided_slice %dot_general3A_208 {offsets = [0, 0], sizes = [192, 384], strides = [1, 1]} : vector<192x512xf32> to vector<192x384xf32>
      %mul3A_223 = arith.mulf %slice3A_222, %dot_general3A_221 : vector<192x384xf32>
      %swap3A_224 = arith.constant 4 : index
      %swap3A_225 = arith.constant 0 : index
      %swap3A_226 = arith.constant 0 : index
      %swap3A_227 = vector.load %arg7[%swap3A_224, %swap3A_225, %swap3A_226] : memref<8x192x384xf32, #tpu.memory_space<vmem>>, vector<1x192x384xf32>
      %swap3A_228 = vector.shape_cast %swap3A_227 : vector<1x192x384xf32> to vector<192x384xf32>
      %swap3A_229 = vector.shape_cast %mul3A_223 : vector<192x384xf32> to vector<1x192x384xf32>
      tpu.vector_store %arg7[%swap3A_224, %swap3A_225, %swap3A_226], %swap3A_229 {strides = array<i32>} : memref<8x192x384xf32, #tpu.memory_space<vmem>>, vector<1x192x384xf32>,
      %slice3A_230 = vector.extract_strided_slice %dot_general3A_208 {offsets = [0, 384], sizes = [192, 128], strides = [1, 1]} : vector<192x512xf32> to vector<192x128xf32>
      %convert_element_type3A_231 = arith.extf %convert_element_type3A_219 : vector<192x128xbf16> to vector<192x128xf32>
      %mul3A_232 = arith.mulf %slice3A_230, %convert_element_type3A_231 : vector<192x128xf32>
      %add3A_233 = arith.constant 1.000000e-03 : f32
      %add3A_234 = vector.broadcast %add3A_233 : f32 to vector<192x128xf32>
      %add3A_235 = arith.addf %mul3A_232, %add3A_234 : vector<192x128xf32>
      %swap3A_236 = arith.constant 4 : index
      %swap3A_237 = arith.constant 0 : index
      %swap3A_238 = arith.constant 0 : index
      %swap3A_239 = vector.load %arg8[%swap3A_236, %swap3A_237, %swap3A_238] : memref<8x192x128xf32, #tpu.memory_space<vmem>>, vector<1x192x128xf32>
      %swap3A_240 = vector.shape_cast %swap3A_239 : vector<1x192x128xf32> to vector<192x128xf32>
      %swap3A_241 = vector.shape_cast %add3A_235 : vector<192x128xf32> to vector<1x192x128xf32>
      tpu.vector_store %arg8[%swap3A_236, %swap3A_237, %swap3A_238], %swap3A_241 {strides = array<i32>} : memref<8x192x128xf32, #tpu.memory_space<vmem>>, vector<1x192x128xf32>,
      %slice3A_242 = vector.extract_strided_slice %slice3A_47 {offsets = [5, 0], sizes = [1, 1024], strides = [1, 1]} : vector<8x1024xf32> to vector<1x1024xf32>
      %mul3A_243 = vector.broadcast %slice3A_242 : vector<1x1024xf32> to vector<192x1024xf32>
      %mul3A_244 = arith.mulf %slice3A, %mul3A_243 : vector<192x1024xf32>
      %convert_element_type3A_245 = arith.truncf %mul3A_244 : vector<192x1024xf32> to vector<192x1024xbf16>
      %dot_general3A_246 = arith.constant dense<0.000000e+00> : vector<192x512xf32>
      %dot_general3A_247 = tpu.matmul %convert_element_type3A_245, %get3A_50, %dot_general3A_246 {dimension_numbers = #tpu.dot_dimension_numbers<[1], [0], [0], [1], [0, 0, 1, 1], [], []>, transpose_lhs_hint = false} : vector<192x1024xbf16>, vector<1024x512xbf16>, vector<192x512xf32> -> vector<192x512xf32>
      %get3A_248 = arith.constant 5 : index
      %get3A_249 = arith.constant 0 : index
      %get3A_250 = arith.constant 0 : index
      %get3A_251 = vector.load %arg6[%get3A_248, %get3A_249, %get3A_250] : memref<8x192x128xf32, #tpu.memory_space<vmem>>, vector<1x192x128xf32>
      %get3A_252 = vector.shape_cast %get3A_251 : vector<1x192x128xf32> to vector<192x128xf32>
      %gt3A_253 = arith.constant 1.000000e-03 : f32
      %gt3A_254 = vector.broadcast %gt3A_253 : f32 to vector<192x128xf32>
      %gt3A_255 = arith.cmpf ogt, %get3A_252, %gt3A_254 : vector<192x128xf32>
      %convert_element_type3A_256 = arith.extui %gt3A_255 : vector<192x128xi1> to vector<192x128xi32>
      %convert_element_type3A_257 = arith.sitofp %convert_element_type3A_256 : vector<192x128xi32> to vector<192x128xf32>
      %convert_element_type3A_258 = arith.truncf %convert_element_type3A_257 : vector<192x128xf32> to vector<192x128xbf16>
      %dot_general3A_259 = arith.constant dense<0.000000e+00> : vector<192x384xf32>
      %dot_general3A_260 = tpu.matmul %convert_element_type3A_258, %convert_element_type3A_25, %dot_general3A_259 {dimension_numbers = #tpu.dot_dimension_numbers<[1], [0], [0], [1], [0, 0, 1, 1], [], []>, transpose_lhs_hint = false} : vector<192x128xbf16>, vector<128x384xbf16>, vector<192x384xf32> -> vector<192x384xf32>
      %slice3A_261 = vector.extract_strided_slice %dot_general3A_247 {offsets = [0, 0], sizes = [192, 384], strides = [1, 1]} : vector<192x512xf32> to vector<192x384xf32>
      %mul3A_262 = arith.mulf %slice3A_261, %dot_general3A_260 : vector<192x384xf32>
      %swap3A_263 = arith.constant 5 : index
      %swap3A_264 = arith.constant 0 : index
      %swap3A_265 = arith.constant 0 : index
      %swap3A_266 = vector.load %arg7[%swap3A_263, %swap3A_264, %swap3A_265] : memref<8x192x384xf32, #tpu.memory_space<vmem>>, vector<1x192x384xf32>
      %swap3A_267 = vector.shape_cast %swap3A_266 : vector<1x192x384xf32> to vector<192x384xf32>
      %swap3A_268 = vector.shape_cast %mul3A_262 : vector<192x384xf32> to vector<1x192x384xf32>
      tpu.vector_store %arg7[%swap3A_263, %swap3A_264, %swap3A_265], %swap3A_268 {strides = array<i32>} : memref<8x192x384xf32, #tpu.memory_space<vmem>>, vector<1x192x384xf32>,
      %slice3A_269 = vector.extract_strided_slice %dot_general3A_247 {offsets = [0, 384], sizes = [192, 128], strides = [1, 1]} : vector<192x512xf32> to vector<192x128xf32>
      %convert_element_type3A_270 = arith.extf %convert_element_type3A_258 : vector<192x128xbf16> to vector<192x128xf32>
      %mul3A_271 = arith.mulf %slice3A_269, %convert_element_type3A_270 : vector<192x128xf32>
      %add3A_272 = arith.constant 1.000000e-03 : f32
      %add3A_273 = vector.broadcast %add3A_272 : f32 to vector<192x128xf32>
      %add3A_274 = arith.addf %mul3A_271, %add3A_273 : vector<192x128xf32>
      %swap3A_275 = arith.constant 5 : index
      %swap3A_276 = arith.constant 0 : index
      %swap3A_277 = arith.constant 0 : index
      %swap3A_278 = vector.load %arg8[%swap3A_275, %swap3A_276, %swap3A_277] : memref<8x192x128xf32, #tpu.memory_space<vmem>>, vector<1x192x128xf32>
      %swap3A_279 = vector.shape_cast %swap3A_278 : vector<1x192x128xf32> to vector<192x128xf32>
      %swap3A_280 = vector.shape_cast %add3A_274 : vector<192x128xf32> to vector<1x192x128xf32>
      tpu.vector_store %arg8[%swap3A_275, %swap3A_276, %swap3A_277], %swap3A_280 {strides = array<i32>} : memref<8x192x128xf32, #tpu.memory_space<vmem>>, vector<1x192x128xf32>,
      %slice3A_281 = vector.extract_strided_slice %slice3A_47 {offsets = [6, 0], sizes = [1, 1024], strides = [1, 1]} : vector<8x1024xf32> to vector<1x1024xf32>
      %mul3A_282 = vector.broadcast %slice3A_281 : vector<1x1024xf32> to vector<192x1024xf32>
      %mul3A_283 = arith.mulf %slice3A, %mul3A_282 : vector<192x1024xf32>
      %convert_element_type3A_284 = arith.truncf %mul3A_283 : vector<192x1024xf32> to vector<192x1024xbf16>
      %dot_general3A_285 = arith.constant dense<0.000000e+00> : vector<192x512xf32>
      %dot_general3A_286 = tpu.matmul %convert_element_type3A_284, %get3A_50, %dot_general3A_285 {dimension_numbers = #tpu.dot_dimension_numbers<[1], [0], [0], [1], [0, 0, 1, 1], [], []>, transpose_lhs_hint = false} : vector<192x1024xbf16>, vector<1024x512xbf16>, vector<192x512xf32> -> vector<192x512xf32>
      %get3A_287 = arith.constant 6 : index
      %get3A_288 = arith.constant 0 : index
      %get3A_289 = arith.constant 0 : index
      %get3A_290 = vector.load %arg6[%get3A_287, %get3A_288, %get3A_289] : memref<8x192x128xf32, #tpu.memory_space<vmem>>, vector<1x192x128xf32>
      %get3A_291 = vector.shape_cast %get3A_290 : vector<1x192x128xf32> to vector<192x128xf32>
      %gt3A_292 = arith.constant 1.000000e-03 : f32
      %gt3A_293 = vector.broadcast %gt3A_292 : f32 to vector<192x128xf32>
      %gt3A_294 = arith.cmpf ogt, %get3A_291, %gt3A_293 : vector<192x128xf32>
      %convert_element_type3A_295 = arith.extui %gt3A_294 : vector<192x128xi1> to vector<192x128xi32>
      %convert_element_type3A_296 = arith.sitofp %convert_element_type3A_295 : vector<192x128xi32> to vector<192x128xf32>
      %convert_element_type3A_297 = arith.truncf %convert_element_type3A_296 : vector<192x128xf32> to vector<192x128xbf16>
      %dot_general3A_298 = arith.constant dense<0.000000e+00> : vector<192x384xf32>
      %dot_general3A_299 = tpu.matmul %convert_element_type3A_297, %convert_element_type3A_25, %dot_general3A_298 {dimension_numbers = #tpu.dot_dimension_numbers<[1], [0], [0], [1], [0, 0, 1, 1], [], []>, transpose_lhs_hint = false} : vector<192x128xbf16>, vector<128x384xbf16>, vector<192x384xf32> -> vector<192x384xf32>
      %slice3A_300 = vector.extract_strided_slice %dot_general3A_286 {offsets = [0, 0], sizes = [192, 384], strides = [1, 1]} : vector<192x512xf32> to vector<192x384xf32>
      %mul3A_301 = arith.mulf %slice3A_300, %dot_general3A_299 : vector<192x384xf32>
      %swap3A_302 = arith.constant 6 : index
      %swap3A_303 = arith.constant 0 : index
      %swap3A_304 = arith.constant 0 : index
      %swap3A_305 = vector.load %arg7[%swap3A_302, %swap3A_303, %swap3A_304] : memref<8x192x384xf32, #tpu.memory_space<vmem>>, vector<1x192x384xf32>
      %swap3A_306 = vector.shape_cast %swap3A_305 : vector<1x192x384xf32> to vector<192x384xf32>
      %swap3A_307 = vector.shape_cast %mul3A_301 : vector<192x384xf32> to vector<1x192x384xf32>
      tpu.vector_store %arg7[%swap3A_302, %swap3A_303, %swap3A_304], %swap3A_307 {strides = array<i32>} : memref<8x192x384xf32, #tpu.memory_space<vmem>>, vector<1x192x384xf32>,
      %slice3A_308 = vector.extract_strided_slice %dot_general3A_286 {offsets = [0, 384], sizes = [192, 128], strides = [1, 1]} : vector<192x512xf32> to vector<192x128xf32>
      %convert_element_type3A_309 = arith.extf %convert_element_type3A_297 : vector<192x128xbf16> to vector<192x128xf32>
      %mul3A_310 = arith.mulf %slice3A_308, %convert_element_type3A_309 : vector<192x128xf32>
      %add3A_311 = arith.constant 1.000000e-03 : f32
      %add3A_312 = vector.broadcast %add3A_311 : f32 to vector<192x128xf32>
      %add3A_313 = arith.addf %mul3A_310, %add3A_312 : vector<192x128xf32>
      %swap3A_314 = arith.constant 6 : index
      %swap3A_315 = arith.constant 0 : index
      %swap3A_316 = arith.constant 0 : index
      %swap3A_317 = vector.load %arg8[%swap3A_314, %swap3A_315, %swap3A_316] : memref<8x192x128xf32, #tpu.memory_space<vmem>>, vector<1x192x128xf32>
      %swap3A_318 = vector.shape_cast %swap3A_317 : vector<1x192x128xf32> to vector<192x128xf32>
      %swap3A_319 = vector.shape_cast %add3A_313 : vector<192x128xf32> to vector<1x192x128xf32>
      tpu.vector_store %arg8[%swap3A_314, %swap3A_315, %swap3A_316], %swap3A_319 {strides = array<i32>} : memref<8x192x128xf32, #tpu.memory_space<vmem>>, vector<1x192x128xf32>,
      %slice3A_320 = vector.extract_strided_slice %slice3A_47 {offsets = [7, 0], sizes = [1, 1024], strides = [1, 1]} : vector<8x1024xf32> to vector<1x1024xf32>
      %mul3A_321 = vector.broadcast %slice3A_320 : vector<1x1024xf32> to vector<192x1024xf32>
      %mul3A_322 = arith.mulf %slice3A, %mul3A_321 : vector<192x1024xf32>
      %convert_element_type3A_323 = arith.truncf %mul3A_322 : vector<192x1024xf32> to vector<192x1024xbf16>
      %dot_general3A_324 = arith.constant dense<0.000000e+00> : vector<192x512xf32>
      %dot_general3A_325 = tpu.matmul %convert_element_type3A_323, %get3A_50, %dot_general3A_324 {dimension_numbers = #tpu.dot_dimension_numbers<[1], [0], [0], [1], [0, 0, 1, 1], [], []>, transpose_lhs_hint = false} : vector<192x1024xbf16>, vector<1024x512xbf16>, vector<192x512xf32> -> vector<192x512xf32>
      %get3A_326 = arith.constant 7 : index
      %get3A_327 = arith.constant 0 : index
      %get3A_328 = arith.constant 0 : index
      %get3A_329 = vector.load %arg6[%get3A_326, %get3A_327, %get3A_328] : memref<8x192x128xf32, #tpu.memory_space<vmem>>, vector<1x192x128xf32>
      %get3A_330 = vector.shape_cast %get3A_329 : vector<1x192x128xf32> to vector<192x128xf32>
      %gt3A_331 = arith.constant 1.000000e-03 : f32
      %gt3A_332 = vector.broadcast %gt3A_331 : f32 to vector<192x128xf32>
      %gt3A_333 = arith.cmpf ogt, %get3A_330, %gt3A_332 : vector<192x128xf32>
      %convert_element_type3A_334 = arith.extui %gt3A_333 : vector<192x128xi1> to vector<192x128xi32>
      %convert_element_type3A_335 = arith.sitofp %convert_element_type3A_334 : vector<192x128xi32> to vector<192x128xf32>
      %convert_element_type3A_336 = arith.truncf %convert_element_type3A_335 : vector<192x128xf32> to vector<192x128xbf16>
      %dot_general3A_337 = arith.constant dense<0.000000e+00> : vector<192x384xf32>
      %dot_general3A_338 = tpu.matmul %convert_element_type3A_336, %convert_element_type3A_25, %dot_general3A_337 {dimension_numbers = #tpu.dot_dimension_numbers<[1], [0], [0], [1], [0, 0, 1, 1], [], []>, transpose_lhs_hint = false} : vector<192x128xbf16>, vector<128x384xbf16>, vector<192x384xf32> -> vector<192x384xf32>
      %slice3A_339 = vector.extract_strided_slice %dot_general3A_325 {offsets = [0, 0], sizes = [192, 384], strides = [1, 1]} : vector<192x512xf32> to vector<192x384xf32>
      %mul3A_340 = arith.mulf %slice3A_339, %dot_general3A_338 : vector<192x384xf32>
      %swap3A_341 = arith.constant 7 : index
      %swap3A_342 = arith.constant 0 : index
      %swap3A_343 = arith.constant 0 : index
      %swap3A_344 = vector.load %arg7[%swap3A_341, %swap3A_342, %swap3A_343] : memref<8x192x384xf32, #tpu.memory_space<vmem>>, vector<1x192x384xf32>
      %swap3A_345 = vector.shape_cast %swap3A_344 : vector<1x192x384xf32> to vector<192x384xf32>
      %swap3A_346 = vector.shape_cast %mul3A_340 : vector<192x384xf32> to vector<1x192x384xf32>
      tpu.vector_store %arg7[%swap3A_341, %swap3A_342, %swap3A_343], %swap3A_346 {strides = array<i32>} : memref<8x192x384xf32, #tpu.memory_space<vmem>>, vector<1x192x384xf32>,
      %slice3A_347 = vector.extract_strided_slice %dot_general3A_325 {offsets = [0, 384], sizes = [192, 128], strides = [1, 1]} : vector<192x512xf32> to vector<192x128xf32>
      %convert_element_type3A_348 = arith.extf %convert_element_type3A_336 : vector<192x128xbf16> to vector<192x128xf32>
      %mul3A_349 = arith.mulf %slice3A_347, %convert_element_type3A_348 : vector<192x128xf32>
      %add3A_350 = arith.constant 1.000000e-03 : f32
      %add3A_351 = vector.broadcast %add3A_350 : f32 to vector<192x128xf32>
      %add3A_352 = arith.addf %mul3A_349, %add3A_351 : vector<192x128xf32>
      %swap3A_353 = arith.constant 7 : index
      %swap3A_354 = arith.constant 0 : index
      %swap3A_355 = arith.constant 0 : index
      %swap3A_356 = vector.load %arg8[%swap3A_353, %swap3A_354, %swap3A_355] : memref<8x192x128xf32, #tpu.memory_space<vmem>>, vector<1x192x128xf32>
      %swap3A_357 = vector.shape_cast %swap3A_356 : vector<1x192x128xf32> to vector<192x128xf32>
      %swap3A_358 = vector.shape_cast %add3A_352 : vector<192x128xf32> to vector<1x192x128xf32>
      tpu.vector_store %arg8[%swap3A_353, %swap3A_354, %swap3A_355], %swap3A_358 {strides = array<i32>} : memref<8x192x128xf32, #tpu.memory_space<vmem>>, vector<1x192x128xf32>,
    } else {
      %get3A_34 = arith.constant 0 : index
      %get3A_35 = arith.constant 0 : index
      %get3A_36 = vector.load %arg4[%get3A_34, %get3A_35] : memref<192x6912xf32, #tpu.memory_space<vmem>>, vector<192x6912xf32>
      %get3A_37 = arith.constant 0 : index
      %get3A_38 = arith.constant 0 : index
      %get3A_39 = vector.load %arg5[%get3A_37, %get3A_38] : memref<6912x512xbf16, #tpu.memory_space<vmem>>, vector<6912x512xbf16>
      %get3A_40 = arith.constant 0 : index
      %get3A_41 = arith.constant 0 : index
      %get3A_42 = vector.load %arg3[%get3A_40, %get3A_41] : memref<8x6912xf32, #tpu.memory_space<vmem>>, vector<1x6912xf32>
      %mul3A_43 = vector.broadcast %get3A_42 : vector<1x6912xf32> to vector<192x6912xf32>
      %mul3A_44 = arith.mulf %get3A_36, %mul3A_43 : vector<192x6912xf32>
      %convert_element_type3A_45 = arith.truncf %mul3A_44 : vector<192x6912xf32> to vector<192x6912xbf16>
      %dot_general3A = arith.constant dense<0.000000e+00> : vector<192x512xf32>
      %dot_general3A_46 = tpu.matmul %convert_element_type3A_45, %get3A_39, %dot_general3A {dimension_numbers = #tpu.dot_dimension_numbers<[1], [0], [0], [1], [0, 0, 1, 1], [], []>, transpose_lhs_hint = false} : vector<192x6912xbf16>, vector<6912x512xbf16>, vector<192x512xf32> -> vector<192x512xf32>
      %get3A_47 = arith.constant 0 : index
      %get3A_48 = arith.constant 0 : index
      %get3A_49 = arith.constant 0 : index
      %get3A_50 = vector.load %arg6[%get3A_47, %get3A_48, %get3A_49] : memref<8x192x128xf32, #tpu.memory_space<vmem>>, vector<1x192x128xf32>
      %get3A_51 = vector.shape_cast %get3A_50 : vector<1x192x128xf32> to vector<192x128xf32>
      %gt3A = arith.constant 1.000000e-03 : f32
      %gt3A_52 = vector.broadcast %gt3A : f32 to vector<192x128xf32>
      %gt3A_53 = arith.cmpf ogt, %get3A_51, %gt3A_52 : vector<192x128xf32>
      %convert_element_type3A_54 = arith.extui %gt3A_53 : vector<192x128xi1> to vector<192x128xi32>
      %convert_element_type3A_55 = arith.sitofp %convert_element_type3A_54 : vector<192x128xi32> to vector<192x128xf32>
      %convert_element_type3A_56 = arith.truncf %convert_element_type3A_55 : vector<192x128xf32> to vector<192x128xbf16>
      %dot_general3A_57 = arith.constant dense<0.000000e+00> : vector<192x384xf32>
      %dot_general3A_58 = tpu.matmul %convert_element_type3A_56, %convert_element_type3A_25, %dot_general3A_57 {dimension_numbers = #tpu.dot_dimension_numbers<[1], [0], [0], [1], [0, 0, 1, 1], [], []>, transpose_lhs_hint = false} : vector<192x128xbf16>, vector<128x384xbf16>, vector<192x384xf32> -> vector<192x384xf32>
      %slice3A = vector.extract_strided_slice %dot_general3A_46 {offsets = [0, 0], sizes = [192, 384], strides = [1, 1]} : vector<192x512xf32> to vector<192x384xf32>
      %mul3A_59 = arith.mulf %slice3A, %dot_general3A_58 : vector<192x384xf32>
      %swap3A = arith.constant 0 : index
      %swap3A_60 = arith.constant 0 : index
      %swap3A_61 = arith.constant 0 : index
      %swap3A_62 = vector.load %arg7[%swap3A, %swap3A_60, %swap3A_61] : memref<8x192x384xf32, #tpu.memory_space<vmem>>, vector<1x192x384xf32>
      %swap3A_63 = vector.shape_cast %swap3A_62 : vector<1x192x384xf32> to vector<192x384xf32>
      %swap3A_64 = vector.shape_cast %mul3A_59 : vector<192x384xf32> to vector<1x192x384xf32>
      tpu.vector_store %arg7[%swap3A, %swap3A_60, %swap3A_61], %swap3A_64 {strides = array<i32>} : memref<8x192x384xf32, #tpu.memory_space<vmem>>, vector<1x192x384xf32>,
      %slice3A_65 = vector.extract_strided_slice %dot_general3A_46 {offsets = [0, 384], sizes = [192, 128], strides = [1, 1]} : vector<192x512xf32> to vector<192x128xf32>
      %convert_element_type3A_66 = arith.extf %convert_element_type3A_56 : vector<192x128xbf16> to vector<192x128xf32>
      %mul3A_67 = arith.mulf %slice3A_65, %convert_element_type3A_66 : vector<192x128xf32>
      %add3A = arith.constant 1.000000e-03 : f32
      %add3A_68 = vector.broadcast %add3A : f32 to vector<192x128xf32>
      %add3A_69 = arith.addf %mul3A_67, %add3A_68 : vector<192x128xf32>
      %swap3A_70 = arith.constant 0 : index
      %swap3A_71 = arith.constant 0 : index
      %swap3A_72 = arith.constant 0 : index
      %swap3A_73 = vector.load %arg8[%swap3A_70, %swap3A_71, %swap3A_72] : memref<8x192x128xf32, #tpu.memory_space<vmem>>, vector<1x192x128xf32>
      %swap3A_74 = vector.shape_cast %swap3A_73 : vector<1x192x128xf32> to vector<192x128xf32>
      %swap3A_75 = vector.shape_cast %add3A_69 : vector<192x128xf32> to vector<1x192x128xf32>
      tpu.vector_store %arg8[%swap3A_70, %swap3A_71, %swap3A_72], %swap3A_75 {strides = array<i32>} : memref<8x192x128xf32, #tpu.memory_space<vmem>>, vector<1x192x128xf32>,
      %get3A_76 = arith.constant 1 : index
      %get3A_77 = arith.constant 0 : index
      %get3A_78 = vector.load %arg3[%get3A_76, %get3A_77] : memref<8x6912xf32, #tpu.memory_space<vmem>>, vector<1x6912xf32>
      %mul3A_79 = vector.broadcast %get3A_78 : vector<1x6912xf32> to vector<192x6912xf32>
      %mul3A_80 = arith.mulf %get3A_36, %mul3A_79 : vector<192x6912xf32>
      %convert_element_type3A_81 = arith.truncf %mul3A_80 : vector<192x6912xf32> to vector<192x6912xbf16>
      %dot_general3A_82 = arith.constant dense<0.000000e+00> : vector<192x512xf32>
      %dot_general3A_83 = tpu.matmul %convert_element_type3A_81, %get3A_39, %dot_general3A_82 {dimension_numbers = #tpu.dot_dimension_numbers<[1], [0], [0], [1], [0, 0, 1, 1], [], []>, transpose_lhs_hint = false} : vector<192x6912xbf16>, vector<6912x512xbf16>, vector<192x512xf32> -> vector<192x512xf32>
      %get3A_84 = arith.constant 1 : index
      %get3A_85 = arith.constant 0 : index
      %get3A_86 = arith.constant 0 : index
      %get3A_87 = vector.load %arg6[%get3A_84, %get3A_85, %get3A_86] : memref<8x192x128xf32, #tpu.memory_space<vmem>>, vector<1x192x128xf32>
      %get3A_88 = vector.shape_cast %get3A_87 : vector<1x192x128xf32> to vector<192x128xf32>
      %gt3A_89 = arith.constant 1.000000e-03 : f32
      %gt3A_90 = vector.broadcast %gt3A_89 : f32 to vector<192x128xf32>
      %gt3A_91 = arith.cmpf ogt, %get3A_88, %gt3A_90 : vector<192x128xf32>
      %convert_element_type3A_92 = arith.extui %gt3A_91 : vector<192x128xi1> to vector<192x128xi32>
      %convert_element_type3A_93 = arith.sitofp %convert_element_type3A_92 : vector<192x128xi32> to vector<192x128xf32>
      %convert_element_type3A_94 = arith.truncf %convert_element_type3A_93 : vector<192x128xf32> to vector<192x128xbf16>
      %dot_general3A_95 = arith.constant dense<0.000000e+00> : vector<192x384xf32>
      %dot_general3A_96 = tpu.matmul %convert_element_type3A_94, %convert_element_type3A_25, %dot_general3A_95 {dimension_numbers = #tpu.dot_dimension_numbers<[1], [0], [0], [1], [0, 0, 1, 1], [], []>, transpose_lhs_hint = false} : vector<192x128xbf16>, vector<128x384xbf16>, vector<192x384xf32> -> vector<192x384xf32>
      %slice3A_97 = vector.extract_strided_slice %dot_general3A_83 {offsets = [0, 0], sizes = [192, 384], strides = [1, 1]} : vector<192x512xf32> to vector<192x384xf32>
      %mul3A_98 = arith.mulf %slice3A_97, %dot_general3A_96 : vector<192x384xf32>
      %swap3A_99 = arith.constant 1 : index
      %swap3A_100 = arith.constant 0 : index
      %swap3A_101 = arith.constant 0 : index
      %swap3A_102 = vector.load %arg7[%swap3A_99, %swap3A_100, %swap3A_101] : memref<8x192x384xf32, #tpu.memory_space<vmem>>, vector<1x192x384xf32>
      %swap3A_103 = vector.shape_cast %swap3A_102 : vector<1x192x384xf32> to vector<192x384xf32>
      %swap3A_104 = vector.shape_cast %mul3A_98 : vector<192x384xf32> to vector<1x192x384xf32>
      tpu.vector_store %arg7[%swap3A_99, %swap3A_100, %swap3A_101], %swap3A_104 {strides = array<i32>} : memref<8x192x384xf32, #tpu.memory_space<vmem>>, vector<1x192x384xf32>,
      %slice3A_105 = vector.extract_strided_slice %dot_general3A_83 {offsets = [0, 384], sizes = [192, 128], strides = [1, 1]} : vector<192x512xf32> to vector<192x128xf32>
      %convert_element_type3A_106 = arith.extf %convert_element_type3A_94 : vector<192x128xbf16> to vector<192x128xf32>
      %mul3A_107 = arith.mulf %slice3A_105, %convert_element_type3A_106 : vector<192x128xf32>
      %add3A_108 = arith.constant 1.000000e-03 : f32
      %add3A_109 = vector.broadcast %add3A_108 : f32 to vector<192x128xf32>
      %add3A_110 = arith.addf %mul3A_107, %add3A_109 : vector<192x128xf32>
      %swap3A_111 = arith.constant 1 : index
      %swap3A_112 = arith.constant 0 : index
      %swap3A_113 = arith.constant 0 : index
      %swap3A_114 = vector.load %arg8[%swap3A_111, %swap3A_112, %swap3A_113] : memref<8x192x128xf32, #tpu.memory_space<vmem>>, vector<1x192x128xf32>
      %swap3A_115 = vector.shape_cast %swap3A_114 : vector<1x192x128xf32> to vector<192x128xf32>
      %swap3A_116 = vector.shape_cast %add3A_110 : vector<192x128xf32> to vector<1x192x128xf32>
      tpu.vector_store %arg8[%swap3A_111, %swap3A_112, %swap3A_113], %swap3A_116 {strides = array<i32>} : memref<8x192x128xf32, #tpu.memory_space<vmem>>, vector<1x192x128xf32>,
      %get3A_117 = arith.constant 2 : index
      %get3A_118 = arith.constant 0 : index
      %get3A_119 = vector.load %arg3[%get3A_117, %get3A_118] : memref<8x6912xf32, #tpu.memory_space<vmem>>, vector<1x6912xf32>
      %mul3A_120 = vector.broadcast %get3A_119 : vector<1x6912xf32> to vector<192x6912xf32>
      %mul3A_121 = arith.mulf %get3A_36, %mul3A_120 : vector<192x6912xf32>
      %convert_element_type3A_122 = arith.truncf %mul3A_121 : vector<192x6912xf32> to vector<192x6912xbf16>
      %dot_general3A_123 = arith.constant dense<0.000000e+00> : vector<192x512xf32>
      %dot_general3A_124 = tpu.matmul %convert_element_type3A_122, %get3A_39, %dot_general3A_123 {dimension_numbers = #tpu.dot_dimension_numbers<[1], [0], [0], [1], [0, 0, 1, 1], [], []>, transpose_lhs_hint = false} : vector<192x6912xbf16>, vector<6912x512xbf16>, vector<192x512xf32> -> vector<192x512xf32>
      %get3A_125 = arith.constant 2 : index
      %get3A_126 = arith.constant 0 : index
      %get3A_127 = arith.constant 0 : index
      %get3A_128 = vector.load %arg6[%get3A_125, %get3A_126, %get3A_127] : memref<8x192x128xf32, #tpu.memory_space<vmem>>, vector<1x192x128xf32>
      %get3A_129 = vector.shape_cast %get3A_128 : vector<1x192x128xf32> to vector<192x128xf32>
      %gt3A_130 = arith.constant 1.000000e-03 : f32
      %gt3A_131 = vector.broadcast %gt3A_130 : f32 to vector<192x128xf32>
      %gt3A_132 = arith.cmpf ogt, %get3A_129, %gt3A_131 : vector<192x128xf32>
      %convert_element_type3A_133 = arith.extui %gt3A_132 : vector<192x128xi1> to vector<192x128xi32>
      %convert_element_type3A_134 = arith.sitofp %convert_element_type3A_133 : vector<192x128xi32> to vector<192x128xf32>
      %convert_element_type3A_135 = arith.truncf %convert_element_type3A_134 : vector<192x128xf32> to vector<192x128xbf16>
      %dot_general3A_136 = arith.constant dense<0.000000e+00> : vector<192x384xf32>
      %dot_general3A_137 = tpu.matmul %convert_element_type3A_135, %convert_element_type3A_25, %dot_general3A_136 {dimension_numbers = #tpu.dot_dimension_numbers<[1], [0], [0], [1], [0, 0, 1, 1], [], []>, transpose_lhs_hint = false} : vector<192x128xbf16>, vector<128x384xbf16>, vector<192x384xf32> -> vector<192x384xf32>
      %slice3A_138 = vector.extract_strided_slice %dot_general3A_124 {offsets = [0, 0], sizes = [192, 384], strides = [1, 1]} : vector<192x512xf32> to vector<192x384xf32>
      %mul3A_139 = arith.mulf %slice3A_138, %dot_general3A_137 : vector<192x384xf32>
      %swap3A_140 = arith.constant 2 : index
      %swap3A_141 = arith.constant 0 : index
      %swap3A_142 = arith.constant 0 : index
      %swap3A_143 = vector.load %arg7[%swap3A_140, %swap3A_141, %swap3A_142] : memref<8x192x384xf32, #tpu.memory_space<vmem>>, vector<1x192x384xf32>
      %swap3A_144 = vector.shape_cast %swap3A_143 : vector<1x192x384xf32> to vector<192x384xf32>
      %swap3A_145 = vector.shape_cast %mul3A_139 : vector<192x384xf32> to vector<1x192x384xf32>
      tpu.vector_store %arg7[%swap3A_140, %swap3A_141, %swap3A_142], %swap3A_145 {strides = array<i32>} : memref<8x192x384xf32, #tpu.memory_space<vmem>>, vector<1x192x384xf32>,
      %slice3A_146 = vector.extract_strided_slice %dot_general3A_124 {offsets = [0, 384], sizes = [192, 128], strides = [1, 1]} : vector<192x512xf32> to vector<192x128xf32>
      %convert_element_type3A_147 = arith.extf %convert_element_type3A_135 : vector<192x128xbf16> to vector<192x128xf32>
      %mul3A_148 = arith.mulf %slice3A_146, %convert_element_type3A_147 : vector<192x128xf32>
      %add3A_149 = arith.constant 1.000000e-03 : f32
      %add3A_150 = vector.broadcast %add3A_149 : f32 to vector<192x128xf32>
      %add3A_151 = arith.addf %mul3A_148, %add3A_150 : vector<192x128xf32>
      %swap3A_152 = arith.constant 2 : index
      %swap3A_153 = arith.constant 0 : index
      %swap3A_154 = arith.constant 0 : index
      %swap3A_155 = vector.load %arg8[%swap3A_152, %swap3A_153, %swap3A_154] : memref<8x192x128xf32, #tpu.memory_space<vmem>>, vector<1x192x128xf32>
      %swap3A_156 = vector.shape_cast %swap3A_155 : vector<1x192x128xf32> to vector<192x128xf32>
      %swap3A_157 = vector.shape_cast %add3A_151 : vector<192x128xf32> to vector<1x192x128xf32>
      tpu.vector_store %arg8[%swap3A_152, %swap3A_153, %swap3A_154], %swap3A_157 {strides = array<i32>} : memref<8x192x128xf32, #tpu.memory_space<vmem>>, vector<1x192x128xf32>,
      %get3A_158 = arith.constant 3 : index
      %get3A_159 = arith.constant 0 : index
      %get3A_160 = vector.load %arg3[%get3A_158, %get3A_159] : memref<8x6912xf32, #tpu.memory_space<vmem>>, vector<1x6912xf32>
      %mul3A_161 = vector.broadcast %get3A_160 : vector<1x6912xf32> to vector<192x6912xf32>
      %mul3A_162 = arith.mulf %get3A_36, %mul3A_161 : vector<192x6912xf32>
      %convert_element_type3A_163 = arith.truncf %mul3A_162 : vector<192x6912xf32> to vector<192x6912xbf16>
      %dot_general3A_164 = arith.constant dense<0.000000e+00> : vector<192x512xf32>
      %dot_general3A_165 = tpu.matmul %convert_element_type3A_163, %get3A_39, %dot_general3A_164 {dimension_numbers = #tpu.dot_dimension_numbers<[1], [0], [0], [1], [0, 0, 1, 1], [], []>, transpose_lhs_hint = false} : vector<192x6912xbf16>, vector<6912x512xbf16>, vector<192x512xf32> -> vector<192x512xf32>
      %get3A_166 = arith.constant 3 : index
      %get3A_167 = arith.constant 0 : index
      %get3A_168 = arith.constant 0 : index
      %get3A_169 = vector.load %arg6[%get3A_166, %get3A_167, %get3A_168] : memref<8x192x128xf32, #tpu.memory_space<vmem>>, vector<1x192x128xf32>
      %get3A_170 = vector.shape_cast %get3A_169 : vector<1x192x128xf32> to vector<192x128xf32>
      %gt3A_171 = arith.constant 1.000000e-03 : f32
      %gt3A_172 = vector.broadcast %gt3A_171 : f32 to vector<192x128xf32>
      %gt3A_173 = arith.cmpf ogt, %get3A_170, %gt3A_172 : vector<192x128xf32>
      %convert_element_type3A_174 = arith.extui %gt3A_173 : vector<192x128xi1> to vector<192x128xi32>
      %convert_element_type3A_175 = arith.sitofp %convert_element_type3A_174 : vector<192x128xi32> to vector<192x128xf32>
      %convert_element_type3A_176 = arith.truncf %convert_element_type3A_175 : vector<192x128xf32> to vector<192x128xbf16>
      %dot_general3A_177 = arith.constant dense<0.000000e+00> : vector<192x384xf32>
      %dot_general3A_178 = tpu.matmul %convert_element_type3A_176, %convert_element_type3A_25, %dot_general3A_177 {dimension_numbers = #tpu.dot_dimension_numbers<[1], [0], [0], [1], [0, 0, 1, 1], [], []>, transpose_lhs_hint = false} : vector<192x128xbf16>, vector<128x384xbf16>, vector<192x384xf32> -> vector<192x384xf32>
      %slice3A_179 = vector.extract_strided_slice %dot_general3A_165 {offsets = [0, 0], sizes = [192, 384], strides = [1, 1]} : vector<192x512xf32> to vector<192x384xf32>
      %mul3A_180 = arith.mulf %slice3A_179, %dot_general3A_178 : vector<192x384xf32>
      %swap3A_181 = arith.constant 3 : index
      %swap3A_182 = arith.constant 0 : index
      %swap3A_183 = arith.constant 0 : index
      %swap3A_184 = vector.load %arg7[%swap3A_181, %swap3A_182, %swap3A_183] : memref<8x192x384xf32, #tpu.memory_space<vmem>>, vector<1x192x384xf32>
      %swap3A_185 = vector.shape_cast %swap3A_184 : vector<1x192x384xf32> to vector<192x384xf32>
      %swap3A_186 = vector.shape_cast %mul3A_180 : vector<192x384xf32> to vector<1x192x384xf32>
      tpu.vector_store %arg7[%swap3A_181, %swap3A_182, %swap3A_183], %swap3A_186 {strides = array<i32>} : memref<8x192x384xf32, #tpu.memory_space<vmem>>, vector<1x192x384xf32>,
      %slice3A_187 = vector.extract_strided_slice %dot_general3A_165 {offsets = [0, 384], sizes = [192, 128], strides = [1, 1]} : vector<192x512xf32> to vector<192x128xf32>
      %convert_element_type3A_188 = arith.extf %convert_element_type3A_176 : vector<192x128xbf16> to vector<192x128xf32>
      %mul3A_189 = arith.mulf %slice3A_187, %convert_element_type3A_188 : vector<192x128xf32>
      %add3A_190 = arith.constant 1.000000e-03 : f32
      %add3A_191 = vector.broadcast %add3A_190 : f32 to vector<192x128xf32>
      %add3A_192 = arith.addf %mul3A_189, %add3A_191 : vector<192x128xf32>
      %swap3A_193 = arith.constant 3 : index
      %swap3A_194 = arith.constant 0 : index
      %swap3A_195 = arith.constant 0 : index
      %swap3A_196 = vector.load %arg8[%swap3A_193, %swap3A_194, %swap3A_195] : memref<8x192x128xf32, #tpu.memory_space<vmem>>, vector<1x192x128xf32>
      %swap3A_197 = vector.shape_cast %swap3A_196 : vector<1x192x128xf32> to vector<192x128xf32>
      %swap3A_198 = vector.shape_cast %add3A_192 : vector<192x128xf32> to vector<1x192x128xf32>
      tpu.vector_store %arg8[%swap3A_193, %swap3A_194, %swap3A_195], %swap3A_198 {strides = array<i32>} : memref<8x192x128xf32, #tpu.memory_space<vmem>>, vector<1x192x128xf32>,
      %get3A_199 = arith.constant 4 : index
      %get3A_200 = arith.constant 0 : index
      %get3A_201 = vector.load %arg3[%get3A_199, %get3A_200] : memref<8x6912xf32, #tpu.memory_space<vmem>>, vector<1x6912xf32>
      %mul3A_202 = vector.broadcast %get3A_201 : vector<1x6912xf32> to vector<192x6912xf32>
      %mul3A_203 = arith.mulf %get3A_36, %mul3A_202 : vector<192x6912xf32>
      %convert_element_type3A_204 = arith.truncf %mul3A_203 : vector<192x6912xf32> to vector<192x6912xbf16>
      %dot_general3A_205 = arith.constant dense<0.000000e+00> : vector<192x512xf32>
      %dot_general3A_206 = tpu.matmul %convert_element_type3A_204, %get3A_39, %dot_general3A_205 {dimension_numbers = #tpu.dot_dimension_numbers<[1], [0], [0], [1], [0, 0, 1, 1], [], []>, transpose_lhs_hint = false} : vector<192x6912xbf16>, vector<6912x512xbf16>, vector<192x512xf32> -> vector<192x512xf32>
      %get3A_207 = arith.constant 4 : index
      %get3A_208 = arith.constant 0 : index
      %get3A_209 = arith.constant 0 : index
      %get3A_210 = vector.load %arg6[%get3A_207, %get3A_208, %get3A_209] : memref<8x192x128xf32, #tpu.memory_space<vmem>>, vector<1x192x128xf32>
      %get3A_211 = vector.shape_cast %get3A_210 : vector<1x192x128xf32> to vector<192x128xf32>
      %gt3A_212 = arith.constant 1.000000e-03 : f32
      %gt3A_213 = vector.broadcast %gt3A_212 : f32 to vector<192x128xf32>
      %gt3A_214 = arith.cmpf ogt, %get3A_211, %gt3A_213 : vector<192x128xf32>
      %convert_element_type3A_215 = arith.extui %gt3A_214 : vector<192x128xi1> to vector<192x128xi32>
      %convert_element_type3A_216 = arith.sitofp %convert_element_type3A_215 : vector<192x128xi32> to vector<192x128xf32>
      %convert_element_type3A_217 = arith.truncf %convert_element_type3A_216 : vector<192x128xf32> to vector<192x128xbf16>
      %dot_general3A_218 = arith.constant dense<0.000000e+00> : vector<192x384xf32>
      %dot_general3A_219 = tpu.matmul %convert_element_type3A_217, %convert_element_type3A_25, %dot_general3A_218 {dimension_numbers = #tpu.dot_dimension_numbers<[1], [0], [0], [1], [0, 0, 1, 1], [], []>, transpose_lhs_hint = false} : vector<192x128xbf16>, vector<128x384xbf16>, vector<192x384xf32> -> vector<192x384xf32>
      %slice3A_220 = vector.extract_strided_slice %dot_general3A_206 {offsets = [0, 0], sizes = [192, 384], strides = [1, 1]} : vector<192x512xf32> to vector<192x384xf32>
      %mul3A_221 = arith.mulf %slice3A_220, %dot_general3A_219 : vector<192x384xf32>
      %swap3A_222 = arith.constant 4 : index
      %swap3A_223 = arith.constant 0 : index
      %swap3A_224 = arith.constant 0 : index
      %swap3A_225 = vector.load %arg7[%swap3A_222, %swap3A_223, %swap3A_224] : memref<8x192x384xf32, #tpu.memory_space<vmem>>, vector<1x192x384xf32>
      %swap3A_226 = vector.shape_cast %swap3A_225 : vector<1x192x384xf32> to vector<192x384xf32>
      %swap3A_227 = vector.shape_cast %mul3A_221 : vector<192x384xf32> to vector<1x192x384xf32>
      tpu.vector_store %arg7[%swap3A_222, %swap3A_223, %swap3A_224], %swap3A_227 {strides = array<i32>} : memref<8x192x384xf32, #tpu.memory_space<vmem>>, vector<1x192x384xf32>,
      %slice3A_228 = vector.extract_strided_slice %dot_general3A_206 {offsets = [0, 384], sizes = [192, 128], strides = [1, 1]} : vector<192x512xf32> to vector<192x128xf32>
      %convert_element_type3A_229 = arith.extf %convert_element_type3A_217 : vector<192x128xbf16> to vector<192x128xf32>
      %mul3A_230 = arith.mulf %slice3A_228, %convert_element_type3A_229 : vector<192x128xf32>
      %add3A_231 = arith.constant 1.000000e-03 : f32
      %add3A_232 = vector.broadcast %add3A_231 : f32 to vector<192x128xf32>
      %add3A_233 = arith.addf %mul3A_230, %add3A_232 : vector<192x128xf32>
      %swap3A_234 = arith.constant 4 : index
      %swap3A_235 = arith.constant 0 : index
      %swap3A_236 = arith.constant 0 : index
      %swap3A_237 = vector.load %arg8[%swap3A_234, %swap3A_235, %swap3A_236] : memref<8x192x128xf32, #tpu.memory_space<vmem>>, vector<1x192x128xf32>
      %swap3A_238 = vector.shape_cast %swap3A_237 : vector<1x192x128xf32> to vector<192x128xf32>
      %swap3A_239 = vector.shape_cast %add3A_233 : vector<192x128xf32> to vector<1x192x128xf32>
      tpu.vector_store %arg8[%swap3A_234, %swap3A_235, %swap3A_236], %swap3A_239 {strides = array<i32>} : memref<8x192x128xf32, #tpu.memory_space<vmem>>, vector<1x192x128xf32>,
      %get3A_240 = arith.constant 5 : index
      %get3A_241 = arith.constant 0 : index
      %get3A_242 = vector.load %arg3[%get3A_240, %get3A_241] : memref<8x6912xf32, #tpu.memory_space<vmem>>, vector<1x6912xf32>
      %mul3A_243 = vector.broadcast %get3A_242 : vector<1x6912xf32> to vector<192x6912xf32>
      %mul3A_244 = arith.mulf %get3A_36, %mul3A_243 : vector<192x6912xf32>
      %convert_element_type3A_245 = arith.truncf %mul3A_244 : vector<192x6912xf32> to vector<192x6912xbf16>
      %dot_general3A_246 = arith.constant dense<0.000000e+00> : vector<192x512xf32>
      %dot_general3A_247 = tpu.matmul %convert_element_type3A_245, %get3A_39, %dot_general3A_246 {dimension_numbers = #tpu.dot_dimension_numbers<[1], [0], [0], [1], [0, 0, 1, 1], [], []>, transpose_lhs_hint = false} : vector<192x6912xbf16>, vector<6912x512xbf16>, vector<192x512xf32> -> vector<192x512xf32>
      %get3A_248 = arith.constant 5 : index
      %get3A_249 = arith.constant 0 : index
      %get3A_250 = arith.constant 0 : index
      %get3A_251 = vector.load %arg6[%get3A_248, %get3A_249, %get3A_250] : memref<8x192x128xf32, #tpu.memory_space<vmem>>, vector<1x192x128xf32>
      %get3A_252 = vector.shape_cast %get3A_251 : vector<1x192x128xf32> to vector<192x128xf32>
      %gt3A_253 = arith.constant 1.000000e-03 : f32
      %gt3A_254 = vector.broadcast %gt3A_253 : f32 to vector<192x128xf32>
      %gt3A_255 = arith.cmpf ogt, %get3A_252, %gt3A_254 : vector<192x128xf32>
      %convert_element_type3A_256 = arith.extui %gt3A_255 : vector<192x128xi1> to vector<192x128xi32>
      %convert_element_type3A_257 = arith.sitofp %convert_element_type3A_256 : vector<192x128xi32> to vector<192x128xf32>
      %convert_element_type3A_258 = arith.truncf %convert_element_type3A_257 : vector<192x128xf32> to vector<192x128xbf16>
      %dot_general3A_259 = arith.constant dense<0.000000e+00> : vector<192x384xf32>
      %dot_general3A_260 = tpu.matmul %convert_element_type3A_258, %convert_element_type3A_25, %dot_general3A_259 {dimension_numbers = #tpu.dot_dimension_numbers<[1], [0], [0], [1], [0, 0, 1, 1], [], []>, transpose_lhs_hint = false} : vector<192x128xbf16>, vector<128x384xbf16>, vector<192x384xf32> -> vector<192x384xf32>
      %slice3A_261 = vector.extract_strided_slice %dot_general3A_247 {offsets = [0, 0], sizes = [192, 384], strides = [1, 1]} : vector<192x512xf32> to vector<192x384xf32>
      %mul3A_262 = arith.mulf %slice3A_261, %dot_general3A_260 : vector<192x384xf32>
      %swap3A_263 = arith.constant 5 : index
      %swap3A_264 = arith.constant 0 : index
      %swap3A_265 = arith.constant 0 : index
      %swap3A_266 = vector.load %arg7[%swap3A_263, %swap3A_264, %swap3A_265] : memref<8x192x384xf32, #tpu.memory_space<vmem>>, vector<1x192x384xf32>
      %swap3A_267 = vector.shape_cast %swap3A_266 : vector<1x192x384xf32> to vector<192x384xf32>
      %swap3A_268 = vector.shape_cast %mul3A_262 : vector<192x384xf32> to vector<1x192x384xf32>
      tpu.vector_store %arg7[%swap3A_263, %swap3A_264, %swap3A_265], %swap3A_268 {strides = array<i32>} : memref<8x192x384xf32, #tpu.memory_space<vmem>>, vector<1x192x384xf32>,
      %slice3A_269 = vector.extract_strided_slice %dot_general3A_247 {offsets = [0, 384], sizes = [192, 128], strides = [1, 1]} : vector<192x512xf32> to vector<192x128xf32>
      %convert_element_type3A_270 = arith.extf %convert_element_type3A_258 : vector<192x128xbf16> to vector<192x128xf32>
      %mul3A_271 = arith.mulf %slice3A_269, %convert_element_type3A_270 : vector<192x128xf32>
      %add3A_272 = arith.constant 1.000000e-03 : f32
      %add3A_273 = vector.broadcast %add3A_272 : f32 to vector<192x128xf32>
      %add3A_274 = arith.addf %mul3A_271, %add3A_273 : vector<192x128xf32>
      %swap3A_275 = arith.constant 5 : index
      %swap3A_276 = arith.constant 0 : index
      %swap3A_277 = arith.constant 0 : index
      %swap3A_278 = vector.load %arg8[%swap3A_275, %swap3A_276, %swap3A_277] : memref<8x192x128xf32, #tpu.memory_space<vmem>>, vector<1x192x128xf32>
      %swap3A_279 = vector.shape_cast %swap3A_278 : vector<1x192x128xf32> to vector<192x128xf32>
      %swap3A_280 = vector.shape_cast %add3A_274 : vector<192x128xf32> to vector<1x192x128xf32>
      tpu.vector_store %arg8[%swap3A_275, %swap3A_276, %swap3A_277], %swap3A_280 {strides = array<i32>} : memref<8x192x128xf32, #tpu.memory_space<vmem>>, vector<1x192x128xf32>,
      %get3A_281 = arith.constant 6 : index
      %get3A_282 = arith.constant 0 : index
      %get3A_283 = vector.load %arg3[%get3A_281, %get3A_282] : memref<8x6912xf32, #tpu.memory_space<vmem>>, vector<1x6912xf32>
      %mul3A_284 = vector.broadcast %get3A_283 : vector<1x6912xf32> to vector<192x6912xf32>
      %mul3A_285 = arith.mulf %get3A_36, %mul3A_284 : vector<192x6912xf32>
      %convert_element_type3A_286 = arith.truncf %mul3A_285 : vector<192x6912xf32> to vector<192x6912xbf16>
      %dot_general3A_287 = arith.constant dense<0.000000e+00> : vector<192x512xf32>
      %dot_general3A_288 = tpu.matmul %convert_element_type3A_286, %get3A_39, %dot_general3A_287 {dimension_numbers = #tpu.dot_dimension_numbers<[1], [0], [0], [1], [0, 0, 1, 1], [], []>, transpose_lhs_hint = false} : vector<192x6912xbf16>, vector<6912x512xbf16>, vector<192x512xf32> -> vector<192x512xf32>
      %get3A_289 = arith.constant 6 : index
      %get3A_290 = arith.constant 0 : index
      %get3A_291 = arith.constant 0 : index
      %get3A_292 = vector.load %arg6[%get3A_289, %get3A_290, %get3A_291] : memref<8x192x128xf32, #tpu.memory_space<vmem>>, vector<1x192x128xf32>
      %get3A_293 = vector.shape_cast %get3A_292 : vector<1x192x128xf32> to vector<192x128xf32>
      %gt3A_294 = arith.constant 1.000000e-03 : f32
      %gt3A_295 = vector.broadcast %gt3A_294 : f32 to vector<192x128xf32>
      %gt3A_296 = arith.cmpf ogt, %get3A_293, %gt3A_295 : vector<192x128xf32>
      %convert_element_type3A_297 = arith.extui %gt3A_296 : vector<192x128xi1> to vector<192x128xi32>
      %convert_element_type3A_298 = arith.sitofp %convert_element_type3A_297 : vector<192x128xi32> to vector<192x128xf32>
      %convert_element_type3A_299 = arith.truncf %convert_element_type3A_298 : vector<192x128xf32> to vector<192x128xbf16>
      %dot_general3A_300 = arith.constant dense<0.000000e+00> : vector<192x384xf32>
      %dot_general3A_301 = tpu.matmul %convert_element_type3A_299, %convert_element_type3A_25, %dot_general3A_300 {dimension_numbers = #tpu.dot_dimension_numbers<[1], [0], [0], [1], [0, 0, 1, 1], [], []>, transpose_lhs_hint = false} : vector<192x128xbf16>, vector<128x384xbf16>, vector<192x384xf32> -> vector<192x384xf32>
      %slice3A_302 = vector.extract_strided_slice %dot_general3A_288 {offsets = [0, 0], sizes = [192, 384], strides = [1, 1]} : vector<192x512xf32> to vector<192x384xf32>
      %mul3A_303 = arith.mulf %slice3A_302, %dot_general3A_301 : vector<192x384xf32>
      %swap3A_304 = arith.constant 6 : index
      %swap3A_305 = arith.constant 0 : index
      %swap3A_306 = arith.constant 0 : index
      %swap3A_307 = vector.load %arg7[%swap3A_304, %swap3A_305, %swap3A_306] : memref<8x192x384xf32, #tpu.memory_space<vmem>>, vector<1x192x384xf32>
      %swap3A_308 = vector.shape_cast %swap3A_307 : vector<1x192x384xf32> to vector<192x384xf32>
      %swap3A_309 = vector.shape_cast %mul3A_303 : vector<192x384xf32> to vector<1x192x384xf32>
      tpu.vector_store %arg7[%swap3A_304, %swap3A_305, %swap3A_306], %swap3A_309 {strides = array<i32>} : memref<8x192x384xf32, #tpu.memory_space<vmem>>, vector<1x192x384xf32>,
      %slice3A_310 = vector.extract_strided_slice %dot_general3A_288 {offsets = [0, 384], sizes = [192, 128], strides = [1, 1]} : vector<192x512xf32> to vector<192x128xf32>
      %convert_element_type3A_311 = arith.extf %convert_element_type3A_299 : vector<192x128xbf16> to vector<192x128xf32>
      %mul3A_312 = arith.mulf %slice3A_310, %convert_element_type3A_311 : vector<192x128xf32>
      %add3A_313 = arith.constant 1.000000e-03 : f32
      %add3A_314 = vector.broadcast %add3A_313 : f32 to vector<192x128xf32>
      %add3A_315 = arith.addf %mul3A_312, %add3A_314 : vector<192x128xf32>
      %swap3A_316 = arith.constant 6 : index
      %swap3A_317 = arith.constant 0 : index
      %swap3A_318 = arith.constant 0 : index
      %swap3A_319 = vector.load %arg8[%swap3A_316, %swap3A_317, %swap3A_318] : memref<8x192x128xf32, #tpu.memory_space<vmem>>, vector<1x192x128xf32>
      %swap3A_320 = vector.shape_cast %swap3A_319 : vector<1x192x128xf32> to vector<192x128xf32>
      %swap3A_321 = vector.shape_cast %add3A_315 : vector<192x128xf32> to vector<1x192x128xf32>
      tpu.vector_store %arg8[%swap3A_316, %swap3A_317, %swap3A_318], %swap3A_321 {strides = array<i32>} : memref<8x192x128xf32, #tpu.memory_space<vmem>>, vector<1x192x128xf32>,
      %get3A_322 = arith.constant 7 : index
      %get3A_323 = arith.constant 0 : index
      %get3A_324 = vector.load %arg3[%get3A_322, %get3A_323] : memref<8x6912xf32, #tpu.memory_space<vmem>>, vector<1x6912xf32>
      %mul3A_325 = vector.broadcast %get3A_324 : vector<1x6912xf32> to vector<192x6912xf32>
      %mul3A_326 = arith.mulf %get3A_36, %mul3A_325 : vector<192x6912xf32>
      %convert_element_type3A_327 = arith.truncf %mul3A_326 : vector<192x6912xf32> to vector<192x6912xbf16>
      %dot_general3A_328 = arith.constant dense<0.000000e+00> : vector<192x512xf32>
      %dot_general3A_329 = tpu.matmul %convert_element_type3A_327, %get3A_39, %dot_general3A_328 {dimension_numbers = #tpu.dot_dimension_numbers<[1], [0], [0], [1], [0, 0, 1, 1], [], []>, transpose_lhs_hint = false} : vector<192x6912xbf16>, vector<6912x512xbf16>, vector<192x512xf32> -> vector<192x512xf32>
      %get3A_330 = arith.constant 7 : index
      %get3A_331 = arith.constant 0 : index
      %get3A_332 = arith.constant 0 : index
      %get3A_333 = vector.load %arg6[%get3A_330, %get3A_331, %get3A_332] : memref<8x192x128xf32, #tpu.memory_space<vmem>>, vector<1x192x128xf32>
      %get3A_334 = vector.shape_cast %get3A_333 : vector<1x192x128xf32> to vector<192x128xf32>
      %gt3A_335 = arith.constant 1.000000e-03 : f32
      %gt3A_336 = vector.broadcast %gt3A_335 : f32 to vector<192x128xf32>
      %gt3A_337 = arith.cmpf ogt, %get3A_334, %gt3A_336 : vector<192x128xf32>
      %convert_element_type3A_338 = arith.extui %gt3A_337 : vector<192x128xi1> to vector<192x128xi32>
      %convert_element_type3A_339 = arith.sitofp %convert_element_type3A_338 : vector<192x128xi32> to vector<192x128xf32>
      %convert_element_type3A_340 = arith.truncf %convert_element_type3A_339 : vector<192x128xf32> to vector<192x128xbf16>
      %dot_general3A_341 = arith.constant dense<0.000000e+00> : vector<192x384xf32>
      %dot_general3A_342 = tpu.matmul %convert_element_type3A_340, %convert_element_type3A_25, %dot_general3A_341 {dimension_numbers = #tpu.dot_dimension_numbers<[1], [0], [0], [1], [0, 0, 1, 1], [], []>, transpose_lhs_hint = false} : vector<192x128xbf16>, vector<128x384xbf16>, vector<192x384xf32> -> vector<192x384xf32>
      %slice3A_343 = vector.extract_strided_slice %dot_general3A_329 {offsets = [0, 0], sizes = [192, 384], strides = [1, 1]} : vector<192x512xf32> to vector<192x384xf32>
      %mul3A_344 = arith.mulf %slice3A_343, %dot_general3A_342 : vector<192x384xf32>
      %swap3A_345 = arith.constant 7 : index
      %swap3A_346 = arith.constant 0 : index
      %swap3A_347 = arith.constant 0 : index
      %swap3A_348 = vector.load %arg7[%swap3A_345, %swap3A_346, %swap3A_347] : memref<8x192x384xf32, #tpu.memory_space<vmem>>, vector<1x192x384xf32>
      %swap3A_349 = vector.shape_cast %swap3A_348 : vector<1x192x384xf32> to vector<192x384xf32>
      %swap3A_350 = vector.shape_cast %mul3A_344 : vector<192x384xf32> to vector<1x192x384xf32>
      tpu.vector_store %arg7[%swap3A_345, %swap3A_346, %swap3A_347], %swap3A_350 {strides = array<i32>} : memref<8x192x384xf32, #tpu.memory_space<vmem>>, vector<1x192x384xf32>,
      %slice3A_351 = vector.extract_strided_slice %dot_general3A_329 {offsets = [0, 384], sizes = [192, 128], strides = [1, 1]} : vector<192x512xf32> to vector<192x128xf32>
      %convert_element_type3A_352 = arith.extf %convert_element_type3A_340 : vector<192x128xbf16> to vector<192x128xf32>
      %mul3A_353 = arith.mulf %slice3A_351, %convert_element_type3A_352 : vector<192x128xf32>
      %add3A_354 = arith.constant 1.000000e-03 : f32
      %add3A_355 = vector.broadcast %add3A_354 : f32 to vector<192x128xf32>
      %add3A_356 = arith.addf %mul3A_353, %add3A_355 : vector<192x128xf32>
      %swap3A_357 = arith.constant 7 : index
      %swap3A_358 = arith.constant 0 : index
      %swap3A_359 = arith.constant 0 : index
      %swap3A_360 = vector.load %arg8[%swap3A_357, %swap3A_358, %swap3A_359] : memref<8x192x128xf32, #tpu.memory_space<vmem>>, vector<1x192x128xf32>
      %swap3A_361 = vector.shape_cast %swap3A_360 : vector<1x192x128xf32> to vector<192x128xf32>
      %swap3A_362 = vector.shape_cast %add3A_356 : vector<192x128xf32> to vector<1x192x128xf32>
      tpu.vector_store %arg8[%swap3A_357, %swap3A_358, %swap3A_359], %swap3A_362 {strides = array<i32>} : memref<8x192x128xf32, #tpu.memory_space<vmem>>, vector<1x192x128xf32>,
    }
    return
  }
  func.func @transform_0(%arg0: i32, %arg1: memref<16xi32, #tpu.memory_space<smem>>, %arg2: memref<16xi32, #tpu.memory_space<smem>>) -> (i32, i32) {
    %c0_i32 = arith.constant 0 : i32
    %c0_i32_0 = arith.constant 0 : i32
    return %arg0, %c0_i32 : i32, i32
  }
  func.func @transform_1(%arg0: i32, %arg1: memref<16xi32, #tpu.memory_space<smem>>, %arg2: memref<16xi32, #tpu.memory_space<smem>>) -> (i32, i32) {
    %c0_i32 = arith.constant 0 : i32
    %c0_i32_0 = arith.constant 0 : i32
    %c0_i32_1 = arith.constant 0 : i32
    return %c0_i32, %c0_i32_0 : i32, i32
  }
  func.func @transform_2(%arg0: i32, %arg1: memref<16xi32, #tpu.memory_space<smem>>, %arg2: memref<16xi32, #tpu.memory_space<smem>>) -> (i32, i32) {
    %c0_i32 = arith.constant 0 : i32
    %c0_i32_0 = arith.constant 0 : i32
    %c0_i32_1 = arith.constant 0 : i32
    return %c0_i32, %c0_i32_0 : i32, i32
  }
  func.func @transform_3(%arg0: i32, %arg1: memref<16xi32, #tpu.memory_space<smem>>, %arg2: memref<16xi32, #tpu.memory_space<smem>>) -> (i32, i32, i32) {
    %c0_i32 = arith.constant 0 : i32
    %c0_i32_0 = arith.constant 0 : i32
    %c0_i32_1 = arith.constant 0 : i32
    return %arg0, %c0_i32, %c0_i32_0 : i32, i32, i32
  }
  func.func @transform_4(%arg0: i32, %arg1: memref<16xi32, #tpu.memory_space<smem>>, %arg2: memref<16xi32, #tpu.memory_space<smem>>) -> (i32, i32, i32) {
    %c0_i32 = arith.constant 0 : i32
    %c0_i32_0 = arith.constant 0 : i32
    %c0_i32_1 = arith.constant 0 : i32
    return %arg0, %c0_i32, %c0_i32_0 : i32, i32, i32
  }
  func.func @transform_5(%arg0: i32, %arg1: memref<16xi32, #tpu.memory_space<smem>>, %arg2: memref<16xi32, #tpu.memory_space<smem>>) -> (i32, i32, i32) {
    %c0_i32 = arith.constant 0 : i32
    %c0_i32_0 = arith.constant 0 : i32
    %c0_i32_1 = arith.constant 0 : i32
    return %arg0, %c0_i32, %c0_i32_0 : i32, i32, i32
  }
}

</mosaic_0001>

<sc_bundles>
// kernel: sparse-core-data-format-call.cloned.1.call-start
scs
called_computation_lowered:
.L_overlay_start_0:
0x0: {  	s2 =	sld [smem:$0x3FD9]  }
0x1: {  	s3 =	sld [smem:$0x3FFE];
	_ =	sdelay $0x1  }
0x2: {  	s1 =	srdreg.scid  }
0x3: {  	s0 =	sand.u32 $0x1, s1  }
0x4: {  	s15 =	sshll.u32 s0, $0xA;
	s2 =	sadd.s32 s3, s2  }
0x5: {  	s2 =	sadd.s32 s2, s15  }
0x6: {  	[smem:$0x3FC5] =	sst s2  }
0x7: {  	_ = 	snop  }
0x8: {  	s2 =	sld [smem:$0x3FD0];
	_ =	sdelay $0x2  }
0x9: {  	s16 =	simm.s32 $0xA;
	s4 =	simm.s32 $0x10  }
0xa: {  	[smem:s4], [sflag:s16] =	dma.local [hbm:s2], $0x1  }
0xb: {  	_ =	swait.eq [sflag:s16], $0x1  }
0xc: {  	[sflag:s16] =	ssyncset.done $0x0  }
0xd: {  	[sflag:s16] =	ssyncadd.s32 $0xFFFFFFFF  }
0xe: {  	s17 =	sld [smem:$0x10];
	(tm) =	ssettm $0x1  }
0xf: {  	s18 =	sld [smem:$0x3FFB];
	_ =	sdelay $0x3  }
0x10: {  	_ =	strace s18  }
0x11: {  	s3 =	sld [smem:$0x3FFC];
	_ =	sdelay $0x3  }
0x12: {  	_ =	strace s3  }
0x13: {  	s3 =	sld [smem:$0x3FFD];
	_ =	sdelay $0x3  }
0x14: {  	_ =	strace s3  }
0x15: {  	_ =	strace $0x8FFFFFFF  }
0x16: {  	s19 =	sld [smem:$0x3FDB];
	_ =	sdelay $0x1  }
0x17: {  	s20 =	simm.s32 $_scs_section_size  }
0x18: {  	s5 =	simm.s32 $_size__tile_overlayer_lowered;
	s6 =	simm.s32 $_tile_overlayer_lowered  }
0x19: {  	s23 =	simm.s32 $0x1BFF;
	s22 =	sshll.u32 s6, $0x1;
	s3 =	sadd.s32 s20, s19  }
0x1a: {  	s7 =	simm.s32 $0x0;
	s21 =	sshll.u32 s5, $0x1;
	s5 =	sadd.s32 s22, s3  }
0x1b: {  	[timem:s7], [sflag:s23] =	dma.local [hbm:s5], s21  }
0x1c: {  	_ =	swait.ge [sflag:s23], s21  }
0x1d: {  	s4 =	ssub.s32 $0x0, s21;
	[sflag:s23] =	ssyncset.done $0x0  }
0x1e: {  	[sflag:s23] =	ssyncadd.s32 s4;
	_ =	sdelay $0x1  }
0x1f: {  	s24 =	simm.s32 $0x1B8B  }
0x20: {  	_ =	swait.ge [sflag:s24], $0x1  }
0x21: {  	[sflag:s24] =	ssyncset.done $0x0  }
0x22: {  	s26 =	simm.s32 $0x1B8E;
	s25 =	sld [smem:$0x3FFE];
	[sflag:s24] =	ssyncadd.s32 $0xFFFFFFFF  }
0x23: {  	s27 =	simm.s32 $execute0_lowered;
	[smem:$0x3FD2] =	sst s26  }
0x24: {  	s5 =	sshll.u32 s27, $0x1;
	_ =	strace $0x80000046;
	[dreg:$0x1] =	wrdreg $0xFFFFFFFF  }
0x25: {  	s28 =	simm.s32 $_size_execute0_lowered;
	s3 =	sadd.s32 s3, s5;
	[dreg:$0x0] =	wrdreg $0x0  }
0x26: {  	s5 =	sshll.u32 s28, $0x1;
	[dreg:$0x2] =	wrdreg s3  }
0x27: {  	[dreg:$0x3] =	wrdreg s5  }
0x28: {  	[dreg:$0x4] =	wrdreg $0xC0  }
0x29: {  	_ =	task [dreg:s7], $0x5FFFF  }
0x2a: {  	[dreg:$0x1] =	wrdreg $0xFFFFFFFF  }
0x2b: {  	[dreg:$0x0] =	wrdreg $0x60  }
0x2c: {  	[dreg:$0x2] =	wrdreg s25  }
0x2d: {  	[dreg:$0x3] =	wrdreg s17  }
0x2e: {  	[dreg:$0x4] =	wrdreg $0x9  }
0x2f: {  	_ =	task.clear_ibuf [dreg:s7], $0x5FFFF;
	_ =	strace $0x90000046  }
0x30: {  	s29 =	simm.s32 $0x9;
	_ =	strace $0x80000048  }
0x31: {  	_ =	swait.ge [sflag:s29], $0x1  }
0x32: {  	[sflag:s29] =	ssyncadd.s32 $0xFFFFFFFF  }
0x33: {  	_ =	strace $0x90000048  }
0x34: {  	_ =	sfence  }
0x35: {  	s30 =	sld [smem:$0x0];
	_ =	sdelay $0x2  }
0x36: {  	s31 =	sshll.u32 s1, $0xD;
	s1 =	sshrl.u32 s1, $0x2  }
0x37: {  	s3 =	sand.u32 $0x4000, s31;
	s1 =	sadd.s32 s1, s30  }
0x38: {  	s0 =	sor.u32 s3, s0;
	s1 =	sshll.u32 s1, $0x11  }
0x39: {  	s0 =	sor.u32 s1, s0  }
0x3a: {  	s0 =	sadd.s32 $0x8F2B, s0  }
0x3b: {  	[sflag:s0] =	ssyncadd.remote.s32 $0x1  }
0x3c: {  	_ =	sfence.sel $0xFFFF  }
0x3d: {  	[dreg:$0x0] =	wrdreg $0xFFFFFFFF;
	(pc) =	sbr.abs _section_cstart, $3  }
0x3e: {  	[dreg:$0x1] =	wrdreg $0xFFFFFFFF  }
0x3f: {  	_ =	task.clear_ibuf [dreg:s7], $0x2FFFF;
	_ =	strace $0x9FFFFFFF  }
0x40: {  	(tm) =	ssettm $0x7FFFFFFF  }
0x41: {  	_ =	shalt  }
tec
execute0_lowered:
.L_overlay_start_1:
0x0: {  	(tag) =	ssettag $0x1  }
0x1: {  	s2 =	rddreg [dreg:$0x0]  }
0x2: {  	s3 =	rddreg [dreg:$0x1]  }
0x3: {  	s0 =	rddreg [dreg:$0x2];
	s1 =	srdreg.scid;
	_ =	strace $0x80000047  }
0x4: {  	s6 =	simm.s32 $0x2;
	s13 =	simm.s32 $0x0;
	p0 =	por $0x0, $0x0  }
.Ltmp0:
0x5: {  	s12 =	simm.s32 $0x0;
	s11 =	simm.s32 $0x0;
	(pc) =	sbr.rel .LBB1_1-.Ltmp0, $4  }
0x6: {  	s9 =	simm.s32 $0x0;
	s10 =	simm.s32 $0x0;
	s4 =	sshll.u32 s1, $0x4  }
0x7: {  	s1 =	stileid.u32;
	s5 =	sand.u32 $0x10, s4;
	s4 =	simm.s32 $0x1  }
0x8: {  	s7 =	simm.s32 $0x0;
	s5 =	sor.u32 s1, s5;
	[sflag:s4] =	ssyncpa.u1 $0x0  }
0x9: {  	[sflag:s6] =	ssyncpa.u1 $0x0;
	s6 =	simm.s32 $0x12000;
	s8 =	smov.u32 s5  }
.LBB1_5:
0xa: {  	s14 =	sadd.s32 $0x20, s8  }
0xb: {  	s11 =	simm.s32 $0x1;
	p2 =	sgt.s32 s14, $0xBF  }
0xc: {  	s11 =	simm.s32 @!p2 $0x0  }
0xd: {  	s15 =	sadd.s32 s11, s9  }
0xe: {  	s17 =	smov.u32 s10;
	s11 =	sadd.s32 $0x80, s10;
	p3 =	sgt.s32 s15, $0x2  }
0xf: {  	p1 =	slt.u32 s7, $0x2;
	s17 =	smov.u32 @p3 s11  }
0x10: {  	s7 =	sadd.s32 $0x1, s7;
	s14 =	smov.u32 @p2 s5;
	p2 =	sgt.s32 s17, $0x7F  }
0x11: {  	s17 =	simm.s32 @p2 $0x0;
	p2 =	sne.s32 s7, $0x14  }
.Ltmp1:
0x12: {  	s16 =	simm.s32 @!p1 $0x2;
	(pc) =	sbr.rel @!p2 .LBB1_6-.Ltmp1, $4  }
0x13: {  	s13 =	smov.u32 s8;
	_ =	swait.ge @!p1 [sflag:s16], $0x4000  }
0x14: {  	s12 =	smov.u32 s9;
	p0 =	por !p0, !p0;
	[sflag:s16] =	ssyncset.done @!p1 $0x0  }
0x15: {  	s8 =	smov.u32 s14;
	[sflag:s16] =	ssyncadd.s32 @!p1 $0xFFFFC000;
	s15 =	simm.s32 @p3 $0x0  }
0x16: {  	s11 =	smov.u32 s10;
	s9 =	smov.u32 s15;
	s10 =	smov.u32 s17  }
.LBB1_1:
0x17: {  	p1 =	sgt.u32 s7, $0x11  }
0x18: {  	s14 =	sand.u32 @!p1 $0x1FFFFFF, s8;
	s16 =	smul.u32 @!p1 $0x2400, s10  }
0x19: {  	s15 =	smulhi.u32 @!p1 $0x1555556, s14  }
0x1a: {  	s18 =	smul.u32 @!p1 $0xC00, s9  }
0x1b: {  	s15 =	smul.u32 @!p1 $0xC0, s15  }
0x1c: {  	s16 =	sadd.s32 @!p1 s2, s16  }
0x1d: {  	s17 =	sxor.u32 @!p1 $0xFFFFFFFF, s7;
	s16 =	sadd.s32 @!p1 s18, s16;
	s14 =	ssub.s32 @!p1 s14, s15  }
0x1e: {  	s15 =	sshll.u32 @!p1 s17, $0xE;
	s17 =	simm.s32 @!p1 $0x12000;
	s14 =	sshll.u32 @!p1 s14, $0x4  }
0x1f: {  	s15 =	sand.u32 @!p1 $0x4000, s15;
	s14 =	sadd.s32 @!p1 s14, s16;
	s16 =	simm.s32 @!p1 $0x80  }
0x20: {  	[tilespmem:s15], [sflag:$0x1] =	stream.strided.gather @!p1 [hbm4b:s14+s16], $0x4000, s17, s16, $0x38;
	[tilespmem:$0x10100] =	vst v63  }
0x21: {  	p1 =	seq.s32 s7, $0x0  }
0x22: {  	p2 =	seq.s32 @!p1 s7, $0x13  }
0x23: {  	p1 =	por p1, p2  }
.Ltmp2:
0x24: {  	_ = 	snop;
	(pc) =	sbr.rel @p1 .LBB1_5-.Ltmp2, $1  }
0x25: {  	_ =	sdelay $0x3  }
0x26: {  	s14 =	simm.s32 $0x1  }
0x27: {  	_ =	swait.ge [sflag:s4], $0x4000;
	s14 =	simm.s32 @!p0 $0x0  }
0x28: {  	[sflag:s4] =	ssyncset.done $0x0;
	s15 =	sshll.u32 s14, $0xE  }
0x29: {  	[sflag:s4] =	ssyncadd.s32 $0xFFFFC000;
	s17 =	sor.u32 $0x40, s15  }
0x2a: {  	s14 =	smul.u32 $0x10200, s14;
	v0 =	vld [tilespmem:s17+$0x30]  }
0x2b: {  	v1 =	vld [tilespmem:s17+$0xFFFFFFD0]  }
0x2c: {  	s14 =	sshrl.u32 s14, $0x2;
	v5 =	vld [tilespmem:s17+$0xFFFFFFE0]  }
0x2d: {  	v6 =	vld [tilespmem:s17+$0xFFFFFFF0];
	s15 =	sor.u32 $0x8000, s14  }
0x2e: {  	s31 =	sand.u32 $0x1, s7;
	v4 =	vld [tilespmem:s17+$0x0];
	s16 =	sadd.s32 $0x0, s15  }
0x2f: {  	v3 =	vld [tilespmem:s17+$0x10];
	s14 =	smul.u32 $0x10200, s31;
	[tilespmem:s16+$0x3870 ss:$0x81] =	vst.msk $0xffff, v0  }
0x30: {  	v2 =	vld [tilespmem:s17+$0x20];
	[tilespmem:s16+$0x810 ss:$0x81] =	vst.msk $0xffff, v1  }
0x31: {  	s14 =	sshrl.u32 s14, $0x2;
	v0 =	vld [tilespmem:s17+$0xFFFFFFC0];
	[tilespmem:s16+$0x1020 ss:$0x81] =	vst.msk $0xffff, v5;
	s17 =	sadd.s32 $0x80, s17  }
0x32: {  	s18 =	simm.s32 $0x4;
	s19 =	simm.s32 $0x8;
	s14 =	sor.u32 $0x8000, s14;
	[tilespmem:s16+$0x1830 ss:$0x81] =	vst.msk $0xffff, v6;
	v1 =	vld [tilespmem:s17+$0x30]  }
.LBB1_3:
0x33: {  	p1 =	sne.s32 s19, $0x1FC;
	v5 =	vld [tilespmem:s17+$0xFFFFFFD0];
	[tilespmem:s16+$0x2040 ss:$0x81] =	vst.msk $0xffff, v4  }
0x34: {  	v6 =	vld [tilespmem:s17+$0xFFFFFFE0];
	[tilespmem:s16+$0x2850 ss:$0x81] =	vst.msk $0xffff, v3  }
0x35: {  	s20 =	sshra.s32 s18, $0x2;
	s18 =	smov.u32 s19;
	v7 =	vld [tilespmem:s17+$0xFFFFFFF0];
	[tilespmem:s16+$0x3060 ss:$0x81] =	vst.msk $0xffff, v2  }
.Ltmp3:
0x36: {  	v4 =	vld [tilespmem:s17+$0x0];
	[tilespmem:s16+$0x0 ss:$0x81] =	vst.msk $0xffff, v0;
	s16 =	sadd.s32 s20, s15;
	(pc) =	sbr.rel @p1 .LBB1_3-.Ltmp3, $4  }
0x37: {  	v3 =	vld [tilespmem:s17+$0x10];
	[tilespmem:s16+$0x3870 ss:$0x81] =	vst.msk $0xffff, v1  }
0x38: {  	[tilespmem:s16+$0x810 ss:$0x81] =	vst.msk $0xffff, v5;
	v2 =	vld [tilespmem:s17+$0x20]  }
0x39: {  	v0 =	vld [tilespmem:s17+$0xFFFFFFC0];
	[tilespmem:s16+$0x1020 ss:$0x81] =	vst.msk $0xffff, v6;
	s17 =	sadd.s32 $0x80, s17  }
0x3a: {  	s19 =	sadd.s32 $0x4, s19;
	v1 =	vld [tilespmem:s17+$0x30];
	[tilespmem:s16+$0x1830 ss:$0x81] =	vst.msk $0xffff, v7  }
0x3b: {  	s13 =	sshll.u32 s13, $0x7;
	s19 =	sshll.u32 s11, $0x3;
	v5 =	vld [tilespmem:s17+$0xFFFFFFD0];
	[tilespmem:s16+$0x2040 ss:$0x81] =	vst.msk $0xffff, v4  }
0x3c: {  	v58 =	vld [tilespmem:s17+$0xFFFFFFE0];
	s20 =	sand.u32 $0xFFFFFC00, s13;
	s19 =	sand.u32 $0xFFFFFC00, s19;
	[tilespmem:s16+$0x2850 ss:$0x81] =	vst.msk $0xffff, v3  }
0x3d: {  	s18 =	sshra.s32 s18, $0x2;
	v59 =	vld [tilespmem:s17+$0xFFFFFFF0];
	s13 =	sand.u32 $0x380, s13;
	s19 =	sadd.s32 s19, s20;
	[tilespmem:s16+$0x3060 ss:$0x81] =	vst.msk $0xffff, v2  }
0x3e: {  	v60 =	vld [tilespmem:s17+$0x0];
	s15 =	sadd.s32 s18, s15;
	s13 =	sor.u32 s13, s19;
	[tilespmem:s16+$0x0 ss:$0x81] =	vst.msk $0xffff, v0  }
0x3f: {  	v61 =	vld [tilespmem:s17+$0x10];
	s13 =	sshrl.u32 s13, $0x7;
	[tilespmem:s15+$0x3870 ss:$0x81] =	vst.msk $0xffff, v1  }
0x40: {  	v62 =	vld [tilespmem:s17+$0x20];
	s29 =	smulhi.u32 $0x1555556, s13;
	[tilespmem:s15+$0x810 ss:$0x81] =	vst.msk $0xffff, v5  }
0x41: {  	v63 =	vld [tilespmem:s17+$0xFFFFFFC0];
	s12 =	smul.u32 $0xC00, s12;
	[tilespmem:s15+$0x1020 ss:$0x81] =	vst.msk $0xffff, v58  }
0x42: {  	[tilespmem:s15+$0x1830 ss:$0x81] =	vst.msk $0xffff, v59;
	s16 =	smul.u32 $0xC0, s29  }
.Ltmp4:
0x43: {  	s30 =	sshrl.u32 s11, $0x3;
	s31 =	sand.u32 $0x7, s11;
	[tilespmem:s15+$0x2040 ss:$0x81] =	vst.msk $0xffff, v60;
	(pc) =	sbr.rel .LBB1_5-.Ltmp4, $4  }
0x44: {  	s12 =	sadd.s32 s3, s12;
	[tilespmem:s15+$0x2850 ss:$0x81] =	vst.msk $0xffff, v61;
	s13 =	ssub.s32 s13, s16;
	s16 =	sand.u32 $0xF, s30  }
0x45: {  	s11 =	sshll.u32 s31, $0x12;
	[tilespmem:s15+$0x3060 ss:$0x81] =	vst.msk $0xffff, v62;
	s13 =	sshll.u32 s13, $0x4;
	s12 =	sadd.s32 s16, s12  }
0x46: {  	s11 =	sor.u32 $0x80, s11;
	[tilespmem:s15+$0x0 ss:$0x81] =	vst.msk $0xffff, v63;
	s12 =	sadd.s32 s13, s12  }
0x47: {  	[hbm4b:s12+s11] =	stream.strided.scatter [tilespmem:s14], [sflag:$0x2], $0x4000, s6, s11, $0x20;
	[tilespmem:$0x10100] =	vst v63  }
.LBB1_6:
0x48: {  	_ =	sfence.sel $0x180000  }
0x49: {  	s2 =	simm.s32 $0x1;
	[bflag:$0x0] =	sbarrier.arrive $0xFFFF  }
0x4a: {  	s31 =	simm.s32 $0x2;
	[sflag:s2] =	ssyncpa.u1 $0x1  }
0x4b: {  	[sflag:s31] =	ssyncpa.u1 $0x1  }
0x4c: {  	p0 =	sne.s32 s1, $0x0;
	_ =	strace $0x90000047  }
0x4d: {  	s0 =	sadd.s32 @!p0 $0x100000, s0;
	[bflag:$0x2] =	sbarrier.arrive $0xFFFF  }
0x4e: {  	[sflag:s0] =	ssyncadd.tile.s32 @!p0 $0x1;
	_ =	shalt  }
.Lfunc_end1:
_tile_overlayer_lowered:
.L_overlay_start_2:
0x4f: {  	(tag) =	ssettag $0x2  }
0x50: {  	s0 =	rddreg [dreg:$0x0];
	s2 =	stileid.u32  }
0x51: {  	s1 =	rddreg [dreg:$0x1];
	p0 =	sne.s32 s2, $0x0  }
0x52: {  	s3 =	rddreg [dreg:$0x2];
	[bflag:$0x3] =	sbarrier.arrive $0xFFFF;
	s2 =	simm.s32 @!p0 $0x1C01  }
0x53: {  	[timem:s3], [sflag:s2] =	dma.local @!p0 [hbm:s0], s1  }
0x54: {  	s0 =	simm.s32 @!p0 $0x1  }
0x55: {  	_ =	swait.ge @!p0 [sflag:s0], s1  }
0x56: {  	s1 =	ssub.s32 @!p0 $0x0, s1;
	[sflag:s0] =	ssyncset.done @!p0 $0x0  }
0x57: {  	[sflag:s0] =	ssyncadd.s32 @!p0 s1  }
0x58: {  	[bflag:$0x3] =	sbarrier.arrive $0xFFFF  }
0x59: {  	_ =	shalt  }

</sc_bundles>
